<compile_context>
chip_gen: v7x
topology: tpu7x:2x2x1
jax: 0.10.2.dev20260603
libtpu: 0.0.44.dev20260713+nightly
codegen_flags: <defaults>
</compile_context>

<pallas_src>
import functools
import math

import jax
import jax.numpy as jnp
import numpy as np
from jax import lax
from jax.experimental import pallas as pl
from jax.experimental.pallas import tpu as pltpu
from jax.experimental.pallas import tpu_sc as plsc

ALPHA = 0.4
ACCF = math.sqrt(math.log(10.0 ** 12.0))
CUTOFF = ACCF / ALPHA
KCUT = 2.0 * ALPHA * ACCF
KCUT2 = KCUT * KCUT
CONV = 1e10 * 1.602176634e-19 / (4.0 * math.pi * 8.8541878128e-12)
HALF_CONV = 0.5 * CONV
SELF_C = -ALPHA / math.sqrt(math.pi) * CONV
NEG_INV_4A2 = -1.0 / (4.0 * ALPHA * ALPHA)
NMAX = 12

AS_P = 0.3275911
AS_A1 = 0.254829592
AS_A2 = -0.284496736
AS_A3 = 1.421413741
AS_A4 = -1.453152027
AS_A5 = 1.061405429

NW = 32
L = 16
N_IMG = 64
N_PER = 256
N_ATOMS = N_IMG * N_PER
N_EDGES = N_ATOMS * 32
E_PER_W = N_EDGES // NW
GRID_PAD = 16384
G_PER_W = GRID_PAD // NW
GVECS = G_PER_W // L


def _build_grid() -> np.ndarray:
    ax = np.arange(-NMAX, NMAX + 1, dtype=np.float64)
    gx, gy, gz = np.meshgrid(ax, ax, ax, indexing="ij")
    nx, ny, nz = gx.ravel(), gy.ravel(), gz.ravel()
    arrs = [nx * nx, ny * ny, nz * nz, 2 * nx * ny, 2 * nx * nz, 2 * ny * nz]
    out = np.zeros((6, GRID_PAD), dtype=np.float32)
    for k, a in enumerate(arrs):
        out[k, : a.size] = a.astype(np.float32)
    out[0, arrs[0].size:] = 4e8
    return np.stack(
        [out[:, w * G_PER_W:(w + 1) * G_PER_W].reshape(-1) for w in range(NW)]
    )


_GRID = _build_grid()


def _build_grid_tc() -> np.ndarray:
    ax = np.arange(-NMAX, NMAX + 1, dtype=np.float64)
    gx, gy, gz = np.meshgrid(ax, ax, ax, indexing="ij")
    nx, ny, nz = gx.ravel(), gy.ravel(), gz.ravel()
    arrs = [nx * nx, ny * ny, nz * nz, 2 * nx * ny, 2 * nx * nz, 2 * ny * nz]
    out = np.zeros((6, GRID_PAD), dtype=np.float32)
    for k, a in enumerate(arrs):
        out[k, : a.size] = a.astype(np.float32)
    out[0, arrs[0].size:] = 4e8
    return out


_GRID_TC = _build_grid_tc()


def _tc_body(par_ref, grid_ref, q_ref, out_ref):
    par = par_ref[...]
    a = grid_ref[...]
    v = jax.lax.dot_general(par[:, :6], a, (((1,), (0,)), ((), ())),
                            preferred_element_type=jnp.float32)
    damp = jnp.exp(v * NEG_INV_4A2)
    val = jnp.where((v <= KCUT2) & (v > 0.0), damp / v, 0.0)
    kvec = val.sum(axis=1)
    q = q_ref[...]
    q2 = (q * q).sum(axis=1)
    out_ref[...] = (kvec * par[:, 6] + SELF_C) * q2


def _tc_kernel(par_t, grid6, qsq):
    return pl.pallas_call(
        _tc_body,
        out_shape=jax.ShapeDtypeStruct((N_IMG,), jnp.float32),
    )(par_t, grid6, qsq)


def _sc_body(d_hbm, s_hbm, o_hbm, q_hbm, out0_hbm, out1_hbm,
             qbuf, dbuf, sbuf, obuf, acc, pvec):
    c = lax.axis_index("c")
    s = lax.axis_index("s")
    wid = c * 16 + s

    pltpu.sync_copy(q_hbm, qbuf)
    base_e = wid * E_PER_W
    pltpu.sync_copy(d_hbm.at[pl.ds(base_e, E_PER_W)], dbuf)
    pltpu.sync_copy(s_hbm.at[pl.ds(base_e, E_PER_W)], sbuf)
    pltpu.sync_copy(o_hbm.at[pl.ds(base_e, E_PER_W)], obuf)

    lane = lax.iota(jnp.int32, L)
    lane64 = lane * 64
    zeros16 = jnp.zeros((L,), jnp.float32)

    def z_body(i, _):
        acc[pl.ds(i * L, L)] = zeros16
        return _
    lax.fori_loop(0, N_IMG, z_body, None)

    def e_body(j, _):
        b = j * L
        d = dbuf[pl.ds(b, L)]
        si = sbuf[pl.ds(b, L)]
        oi = obuf[pl.ds(b, L)]
        qs = plsc.load_gather(qbuf, [si])
        qo = plsc.load_gather(qbuf, [oi])
        x = ALPHA * d
        t = 1.0 / (1.0 + AS_P * x)
        poly = t * (AS_A1 + t * (AS_A2 + t * (AS_A3 + t * (AS_A4 + t * AS_A5))))
        w = poly * jnp.exp(-(x * x)) / d
        contrib = qs * qo * w
        idx = lane64 + lax.shift_right_logical(si, 8)
        plsc.addupdate_scatter(acc, [idx], contrib, mask=d < CUTOFF)
        return _
    lax.fori_loop(0, E_PER_W // L, e_body, None, unroll=4)

    def f_body(blk, _):
        def r_body(r, v):
            return v + acc[pl.ds(r * 64 + blk * L, L)]
        v = lax.fori_loop(0, L, r_body, zeros16)
        pvec[pl.ds(blk * L, L)] = v * HALF_CONV
        return _
    lax.fori_loop(0, 4, f_body, None)

    @pl.when(c == 0)
    def _():
        pltpu.sync_copy(pvec, out0_hbm.at[s])

    @pl.when(c == 1)
    def _():
        pltpu.sync_copy(pvec, out1_hbm.at[s])


@functools.lru_cache(maxsize=1)
def _get_sc_kernel():
    return functools.partial(
        pl.kernel,
        out_type=(jax.ShapeDtypeStruct((16, N_IMG), jnp.float32),
                  jax.ShapeDtypeStruct((16, N_IMG), jnp.float32)),
        mesh=plsc.VectorSubcoreMesh(core_axis_name="c", subcore_axis_name="s",
                                    num_cores=2, num_subcores=16),
        compiler_params=pltpu.CompilerParams(needs_layout_passes=False,
                                             skip_device_barrier=True),
        scratch_types=[
            pltpu.VMEM((N_ATOMS,), jnp.float32),
            pltpu.VMEM((E_PER_W,), jnp.float32),
            pltpu.VMEM((E_PER_W,), jnp.int32),
            pltpu.VMEM((E_PER_W,), jnp.int32),
            pltpu.VMEM((16 * N_IMG,), jnp.float32),
            pltpu.VMEM((N_IMG,), jnp.float32),
        ],
    )(_sc_body)


def kernel(edge_dist, edge_idx, atomic_charge, cell, n_atoms, positions, image_idx):
    cells = cell.reshape(-1, 3, 3)
    seg = edge_idx[:, 0].astype(jnp.int32)
    oth = edge_idx[:, 1].astype(jnp.int32)

    recip = 2.0 * math.pi * jnp.linalg.inv(cells).transpose(0, 2, 1)
    gram = jnp.einsum("nki,nkj->nij", recip, recip)
    vols = jnp.sum(cells[:, 0] * jnp.cross(cells[:, 1], cells[:, 2]), axis=1)
    prefc = CONV / (2.0 * math.pi * vols)
    par_t = jnp.stack(
        [gram[:, 0, 0], gram[:, 1, 1], gram[:, 2, 2],
         2.0 * gram[:, 0, 1], 2.0 * gram[:, 0, 2], 2.0 * gram[:, 1, 2],
         prefc, jnp.zeros_like(prefc)], axis=1)

    rvec = _tc_kernel(par_t, jnp.asarray(_GRID_TC),
                      atomic_charge.reshape(N_IMG, N_PER))
    p0, p1 = _get_sc_kernel()(edge_dist, seg, oth, atomic_charge)
    return p0.sum(axis=0) + p1.sum(axis=0) + rvec

# --- scband reference (transcript-rebuilt; emitter-appended) ---
"""Pipeline reference for scband-ewald-summation-15178414424347 (READ-ONLY COPY).

The authoritative reference and input builder live on the scoring server;
editing this copy changes nothing except your own understanding.
"""

import math
import jax
import jax.numpy as jnp
import numpy as np
from jax.scipy.special import erfc

ALPHA = 0.4
ACCF = math.sqrt(math.log(10.0 ** 12.0))
CUTOFF = ACCF / ALPHA
KCUT = 2.0 * ALPHA * ACCF
CONV = 1e10 * 1.602176634e-19 / (4.0 * math.pi * 8.8541878128e-12)

NMAX = 12


def get_k_vectors(cell_np, k_cut):
    recip = 2.0 * np.pi * np.linalg.inv(cell_np).T
    bnorm = np.linalg.norm(recip, axis=0)
    nr = np.ceil(k_cut / bnorm).astype(np.int64)
    axes = [np.arange(-int(n), int(n) + 1, dtype=np.float64) for n in nr]
    nx, ny, nz = np.meshgrid(*axes, indexing='ij')
    nxyz = np.stack([nx.ravel(), ny.ravel(), nz.ravel()], axis=0)
    kmat = (recip @ nxyz).T
    ksq = (kmat ** 2).sum(axis=1)
    m = (ksq <= k_cut ** 2) & (ksq > 0)
    return kmat[m].astype(np.float32), ksq[m].astype(np.float32)


def setup_inputs(seed: int = 0):
    key = jax.random.key(seed)
    ks = jax.random.split(key, 6)
    n_images, n_per = 64, 256
    N = n_images * n_per
    E = N * 32
    edge_dist = jax.random.uniform(ks[0], (E,), minval=0.1, maxval=15.0, dtype=jnp.float32)
    edge_idx = jax.random.randint(ks[1], (E, 2), 0, N)
    atomic_charge = jax.random.normal(ks[2], (N,), dtype=jnp.float32)
    cell = jnp.tile(jnp.eye(3, dtype=jnp.float32) * 12.0, (n_images, 1, 1)) + 0.05 * jax.random.normal(ks[3], (n_images, 3, 3), dtype=jnp.float32)
    n_atoms = jnp.full((n_images,), n_per, dtype=jnp.int32)
    positions = jax.random.uniform(ks[4], (N, 3), dtype=jnp.float32) * 12.0
    image_idx = jnp.repeat(jnp.arange(n_images, dtype=jnp.int32), n_per)
    return {"edge_dist": edge_dist, "edge_idx": edge_idx, "atomic_charge": atomic_charge, "cell": cell, "n_atoms": n_atoms, "positions": positions, "image_idx": image_idx}


def reference(edge_dist, edge_idx, atomic_charge, cell, n_atoms, positions, image_idx):
    N = atomic_charge.shape[0]
    cells = cell.reshape(-1, 3, 3)
    n_images = cells.shape[0]
    # real-space: mask edges beyond cutoff (equivalent to boolean-select + scatter_add)
    mask = edge_dist < CUTOFF
    dist = erfc(ALPHA * edge_dist) / edge_dist
    w = jnp.where(mask, dist, 0.0)
    contrib = atomic_charge[edge_idx[:, 0]] * atomic_charge[edge_idx[:, 1]] * w
    E_real = 0.5 * jax.ops.segment_sum(contrib, edge_idx[:, 0], num_segments=N) * CONV
    # reciprocal-space
    vols = jnp.sum(cells[:, 0] * jnp.cross(cells[:, 1], cells[:, 2]), axis=1)
    pref = 1.0 / (2.0 * vols * math.pi)
    n_per = N // n_images
    offsets = jnp.concatenate([jnp.zeros((1,), dtype=n_atoms.dtype), jnp.cumsum(n_atoms)[:-1]])
    ax = np.arange(-NMAX, NMAX + 1, dtype=np.float64)
    gx, gy, gz = np.meshgrid(ax, ax, ax, indexing='ij')
    nxyz = jnp.asarray(np.stack([gx.ravel(), gy.ravel(), gz.ravel()], axis=0), dtype=jnp.float32)

    def body(carry, xs):
        c_i, off_i, pref_i = xs
        recip = 2.0 * math.pi * jnp.linalg.inv(c_i).T
        kmat = (recip @ nxyz).T
        ksq = (kmat ** 2).sum(axis=1)
        m = (ksq <= KCUT ** 2) & (ksq > 0)
        pos = jax.lax.dynamic_slice_in_dim(positions, off_i, n_per, axis=0)
        q = jax.lax.dynamic_slice_in_dim(atomic_charge, off_i, n_per, axis=0)
        kdr = pos @ kmat.T
        rp = q[:, None] * jnp.cos(kdr)
        ip = q[:, None] * jnp.sin(kdr)
        rho_sq = rp ** 2 + ip ** 2
        damp = jnp.exp(-ksq / (4.0 * ALPHA ** 2))
        safe_ksq = jnp.where(m, ksq, 1.0)
        part = pref_i * jnp.sum(jnp.where(m, damp * rho_sq / safe_ksq, 0.0), axis=-1)
        return carry, part

    _, parts = jax.lax.scan(body, 0, (cells, offsets, pref))
    E_recip = parts.reshape(-1) * CONV
    # self energy
    E_self = -ALPHA / math.sqrt(math.pi) * atomic_charge ** 2 * CONV
    return jax.ops.segment_sum(E_real + E_recip + E_self, image_idx, num_segments=n_images)

if __name__ == "__main__":
    import jax
    _d = setup_inputs()
    print(jax.jit(kernel)(*tuple(_d.values())))

</pallas_src>

<mosaic_0001>
#map = affine_map<(d0, d1) -> (0)>
#map1 = affine_map<(d0, d1) -> (0, 0)>
module attributes {stable_mosaic.version = 14 : i64} {
  func.func @_sc_body(%arg0: i32, %arg1: i32, %arg2: memref<524288xf32, #tpu.memory_space<hbm>>, %arg3: memref<524288xi32, #tpu.memory_space<hbm>>, %arg4: memref<524288xi32, #tpu.memory_space<hbm>>, %arg5: memref<16384xf32, #tpu.memory_space<hbm>>, %arg6: memref<16x64xf32, #tpu.memory_space<hbm>>, %arg7: memref<16x64xf32, #tpu.memory_space<hbm>>, %arg8: memref<16384xf32, #tpu.memory_space<vmem>>, %arg9: memref<16384xf32, #tpu.memory_space<vmem>>, %arg10: memref<16384xi32, #tpu.memory_space<vmem>>, %arg11: memref<16384xi32, #tpu.memory_space<vmem>>, %arg12: memref<1024xf32, #tpu.memory_space<vmem>>, %arg13: memref<64xf32, #tpu.memory_space<vmem>>) attributes {dimension_semantics = [#tpu.dimension_semantics<core_parallel>, #tpu.dimension_semantics<subcore_parallel>], iteration_bounds = array<i64: 2, 16>, scalar_prefetch = 0 : i64, scratch_operands = 6 : i64, tpu.core_type = #tpu.core_type<sc_vector_subcore>, window_params = [{transform_indices = #map}, {transform_indices = #map}, {transform_indices = #map}, {transform_indices = #map}, {transform_indices = #map1}, {transform_indices = #map1}]} {
    %mul3A = arith.constant 16 : i32
    %mul3A_0 = arith.muli %arg0, %mul3A : i32
    %add3A = arith.addi %mul3A_0, %arg1 : i32
    "tpu.region"() ({
      %run_scoped3A = tpu.sem_alloc : memref<!tpu.dma_semaphore, #tpu.memory_space<semaphore_mem>>
      tpu.enqueue_dma source(%arg5 : memref<16384xf32, #tpu.memory_space<hbm>>) target(%arg8 : memref<16384xf32, #tpu.memory_space<vmem>>) target_semaphore(%run_scoped3A : memref<!tpu.dma_semaphore, #tpu.memory_space<semaphore_mem>>)
      tpu.wait_dma2 semaphore(%run_scoped3A : memref<!tpu.dma_semaphore, #tpu.memory_space<semaphore_mem>>) src(%arg5 : memref<16384xf32, #tpu.memory_space<hbm>>) dst(%arg8 : memref<16384xf32, #tpu.memory_space<vmem>>)
      tpu.yield
    }) : () -> ()
    %mul3A_1 = arith.constant 16384 : i32
    %mul3A_2 = arith.muli %add3A, %mul3A_1 : i32
    "tpu.region"() ({
      %run_scoped3A = tpu.sem_alloc : memref<!tpu.dma_semaphore, #tpu.memory_space<semaphore_mem>>
      %dma_start3A = tpu.memref_slice %arg2[%mul3A_2] : memref<524288xf32, #tpu.memory_space<hbm>> -> memref<16384xf32, #tpu.memory_space<hbm>>
      %dma_start3A_28 = tpu.memref_slice %arg2[%mul3A_2] : memref<524288xf32, #tpu.memory_space<hbm>> -> memref<16384xf32, #tpu.memory_space<hbm>>
      tpu.enqueue_dma source(%dma_start3A_28 : memref<16384xf32, #tpu.memory_space<hbm>>) target(%arg9 : memref<16384xf32, #tpu.memory_space<vmem>>) target_semaphore(%run_scoped3A : memref<!tpu.dma_semaphore, #tpu.memory_space<semaphore_mem>>)
      %dma_wait3A = tpu.memref_slice %arg2[%mul3A_2] : memref<524288xf32, #tpu.memory_space<hbm>> -> memref<16384xf32, #tpu.memory_space<hbm>>
      %dma_wait3A_29 = tpu.memref_slice %arg2[%mul3A_2] : memref<524288xf32, #tpu.memory_space<hbm>> -> memref<16384xf32, #tpu.memory_space<hbm>>
      tpu.wait_dma2 semaphore(%run_scoped3A : memref<!tpu.dma_semaphore, #tpu.memory_space<semaphore_mem>>) src(%dma_wait3A_29 : memref<16384xf32, #tpu.memory_space<hbm>>) dst(%arg9 : memref<16384xf32, #tpu.memory_space<vmem>>)
      tpu.yield
    }) : () -> ()
    "tpu.region"() ({
      %run_scoped3A = tpu.sem_alloc : memref<!tpu.dma_semaphore, #tpu.memory_space<semaphore_mem>>
      %dma_start3A = tpu.memref_slice %arg3[%mul3A_2] : memref<524288xi32, #tpu.memory_space<hbm>> -> memref<16384xi32, #tpu.memory_space<hbm>>
      %dma_start3A_28 = tpu.memref_slice %arg3[%mul3A_2] : memref<524288xi32, #tpu.memory_space<hbm>> -> memref<16384xi32, #tpu.memory_space<hbm>>
      tpu.enqueue_dma source(%dma_start3A_28 : memref<16384xi32, #tpu.memory_space<hbm>>) target(%arg10 : memref<16384xi32, #tpu.memory_space<vmem>>) target_semaphore(%run_scoped3A : memref<!tpu.dma_semaphore, #tpu.memory_space<semaphore_mem>>)
      %dma_wait3A = tpu.memref_slice %arg3[%mul3A_2] : memref<524288xi32, #tpu.memory_space<hbm>> -> memref<16384xi32, #tpu.memory_space<hbm>>
      %dma_wait3A_29 = tpu.memref_slice %arg3[%mul3A_2] : memref<524288xi32, #tpu.memory_space<hbm>> -> memref<16384xi32, #tpu.memory_space<hbm>>
      tpu.wait_dma2 semaphore(%run_scoped3A : memref<!tpu.dma_semaphore, #tpu.memory_space<semaphore_mem>>) src(%dma_wait3A_29 : memref<16384xi32, #tpu.memory_space<hbm>>) dst(%arg10 : memref<16384xi32, #tpu.memory_space<vmem>>)
      tpu.yield
    }) : () -> ()
    "tpu.region"() ({
      %run_scoped3A = tpu.sem_alloc : memref<!tpu.dma_semaphore, #tpu.memory_space<semaphore_mem>>
      %dma_start3A = tpu.memref_slice %arg4[%mul3A_2] : memref<524288xi32, #tpu.memory_space<hbm>> -> memref<16384xi32, #tpu.memory_space<hbm>>
      %dma_start3A_28 = tpu.memref_slice %arg4[%mul3A_2] : memref<524288xi32, #tpu.memory_space<hbm>> -> memref<16384xi32, #tpu.memory_space<hbm>>
      tpu.enqueue_dma source(%dma_start3A_28 : memref<16384xi32, #tpu.memory_space<hbm>>) target(%arg11 : memref<16384xi32, #tpu.memory_space<vmem>>) target_semaphore(%run_scoped3A : memref<!tpu.dma_semaphore, #tpu.memory_space<semaphore_mem>>)
      %dma_wait3A = tpu.memref_slice %arg4[%mul3A_2] : memref<524288xi32, #tpu.memory_space<hbm>> -> memref<16384xi32, #tpu.memory_space<hbm>>
      %dma_wait3A_29 = tpu.memref_slice %arg4[%mul3A_2] : memref<524288xi32, #tpu.memory_space<hbm>> -> memref<16384xi32, #tpu.memory_space<hbm>>
      tpu.wait_dma2 semaphore(%run_scoped3A : memref<!tpu.dma_semaphore, #tpu.memory_space<semaphore_mem>>) src(%dma_wait3A_29 : memref<16384xi32, #tpu.memory_space<hbm>>) dst(%arg11 : memref<16384xi32, #tpu.memory_space<vmem>>)
      tpu.yield
    }) : () -> ()
    %iota3A = tpu.iota {dimensions = array<i32: 0>} : vector<16xi32>
    %mul3A_3 = arith.constant 64 : i32
    %mul3A_4 = vector.broadcast %mul3A_3 : i32 to vector<16xi32>
    %mul3A_5 = arith.muli %iota3A, %mul3A_4 : vector<16xi32>
    %broadcast_in_dim3A = arith.constant 0.000000e+00 : f32
    %broadcast_in_dim3A_6 = vector.broadcast %broadcast_in_dim3A : f32 to vector<16xf32>
    %scan3A = arith.constant 0 : i32
    %scan3A_7 = arith.constant 64 : i32
    %scan3A_8 = arith.addi %scan3A, %scan3A_7 : i32
    %scan3A_9 = arith.constant 1 : i32
    scf.for %scan3A_28 = %scan3A to %scan3A_8 step %scan3A_9  : i32 {
      %mul3A_29 = arith.constant 16 : i32
      %mul3A_30 = arith.muli %scan3A_28, %mul3A_29 : i32
      %swap3A = arith.index_cast %mul3A_30 : i32 to index
      %swap3A_31 = tpu.vector_load %arg12[%swap3A] {strides = array<i32>} : memref<1024xf32, #tpu.memory_space<vmem>>, vector<16xf32>,
      tpu.vector_store %arg12[%swap3A], %broadcast_in_dim3A_6 {strides = array<i32>} : memref<1024xf32, #tpu.memory_space<vmem>>, vector<16xf32>,
    }
    %scan3A_10 = arith.constant 64 : i32
    %scan3A_11 = arith.constant 0 : i32
    %scan3A_12 = arith.constant 1024 : i32
    %scan3A_13 = arith.addi %scan3A_11, %scan3A_12 : i32
    %scan3A_14 = arith.constant 4 : i32
    scf.for %scan3A_28 = %scan3A_11 to %scan3A_13 step %scan3A_14  : i32 {
      %mul3A_29 = arith.constant 16 : i32
      %mul3A_30 = arith.muli %scan3A_28, %mul3A_29 : i32
      %get3A = arith.index_cast %mul3A_30 : i32 to index
      %get3A_31 = tpu.vector_load %arg9[%get3A] {strides = array<i32>} : memref<16384xf32, #tpu.memory_space<vmem>>, vector<16xf32>,
      %get3A_32 = arith.index_cast %mul3A_30 : i32 to index
      %get3A_33 = tpu.vector_load %arg10[%get3A_32] {strides = array<i32>} : memref<16384xi32, #tpu.memory_space<vmem>>, vector<16xi32>,
      %get3A_34 = arith.index_cast %mul3A_30 : i32 to index
      %get3A_35 = tpu.vector_load %arg11[%get3A_34] {strides = array<i32>} : memref<16384xi32, #tpu.memory_space<vmem>>, vector<16xi32>,
      %gather3A = tpu.vector_load_idx %arg8[%get3A_33] : memref<16384xf32, #tpu.memory_space<vmem>>[vector<16xi32>], vector<16xf32>,
      %gather3A_36 = tpu.vector_load_idx %arg8[%get3A_35] : memref<16384xf32, #tpu.memory_space<vmem>>[vector<16xi32>], vector<16xf32>,
      %mul3A_37 = arith.constant 4.000000e-01 : f32
      %mul3A_38 = vector.broadcast %mul3A_37 : f32 to vector<16xf32>
      %mul3A_39 = arith.mulf %mul3A_38, %get3A_31 : vector<16xf32>
      %mul3A_40 = arith.constant 0.327591091 : f32
      %mul3A_41 = vector.broadcast %mul3A_40 : f32 to vector<16xf32>
      %mul3A_42 = arith.mulf %mul3A_41, %mul3A_39 : vector<16xf32>
      %add3A_43 = arith.constant 1.000000e+00 : f32
      %add3A_44 = vector.broadcast %add3A_43 : f32 to vector<16xf32>
      %add3A_45 = arith.addf %add3A_44, %mul3A_42 : vector<16xf32>
      %div3A = arith.constant 1.000000e+00 : f32
      %div3A_46 = vector.broadcast %div3A : f32 to vector<16xf32>
      %div3A_47 = arith.divf %div3A_46, %add3A_45 : vector<16xf32>
      %mul3A_48 = arith.constant 1.06140542 : f32
      %mul3A_49 = vector.broadcast %mul3A_48 : f32 to vector<16xf32>
      %mul3A_50 = arith.mulf %div3A_47, %mul3A_49 : vector<16xf32>
      %add3A_51 = arith.constant -1.45315206 : f32
      %add3A_52 = vector.broadcast %add3A_51 : f32 to vector<16xf32>
      %add3A_53 = arith.addf %add3A_52, %mul3A_50 : vector<16xf32>
      %mul3A_54 = arith.mulf %div3A_47, %add3A_53 : vector<16xf32>
      %add3A_55 = arith.constant 1.42141378 : f32
      %add3A_56 = vector.broadcast %add3A_55 : f32 to vector<16xf32>
      %add3A_57 = arith.addf %add3A_56, %mul3A_54 : vector<16xf32>
      %mul3A_58 = arith.mulf %div3A_47, %add3A_57 : vector<16xf32>
      %add3A_59 = arith.constant -0.284496725 : f32
      %add3A_60 = vector.broadcast %add3A_59 : f32 to vector<16xf32>
      %add3A_61 = arith.addf %add3A_60, %mul3A_58 : vector<16xf32>
      %mul3A_62 = arith.mulf %div3A_47, %add3A_61 : vector<16xf32>
      %add3A_63 = arith.constant 0.254829586 : f32
      %add3A_64 = vector.broadcast %add3A_63 : f32 to vector<16xf32>
      %add3A_65 = arith.addf %add3A_64, %mul3A_62 : vector<16xf32>
      %mul3A_66 = arith.mulf %div3A_47, %add3A_65 : vector<16xf32>
      %mul3A_67 = arith.mulf %mul3A_39, %mul3A_39 : vector<16xf32>
      %neg3A = arith.constant 0.000000e+00 : f32
      %neg3A_68 = vector.broadcast %neg3A : f32 to vector<16xf32>
      %neg3A_69 = arith.subf %neg3A_68, %mul3A_67 : vector<16xf32>
      %exp3A = math.exp %neg3A_69 : vector<16xf32>
      %mul3A_70 = arith.mulf %mul3A_66, %exp3A : vector<16xf32>
      %div3A_71 = arith.divf %mul3A_70, %get3A_31 : vector<16xf32>
      %mul3A_72 = arith.mulf %gather3A, %gather3A_36 : vector<16xf32>
      %mul3A_73 = arith.mulf %mul3A_72, %div3A_71 : vector<16xf32>
      %shift_right_logical3A = arith.constant 8 : i32
      %shift_right_logical3A_74 = vector.broadcast %shift_right_logical3A : i32 to vector<16xi32>
      %shift_right_logical3A_75 = arith.shrui %get3A_33, %shift_right_logical3A_74 : vector<16xi32>
      %add3A_76 = arith.addi %mul3A_5, %shift_right_logical3A_75 : vector<16xi32>
      %lt3A = arith.constant 13.141304 : f32
      %lt3A_77 = vector.broadcast %lt3A : f32 to vector<16xf32>
      %lt3A_78 = arith.cmpf olt, %get3A_31, %lt3A_77 : vector<16xf32>
      tpu.vector_store_idx %arg12[%add3A_76], %mul3A_73 masked %lt3A_78 {add = true} : memref<1024xf32, #tpu.memory_space<vmem>>[vector<16xi32>], vector<16xf32>, vector<16xi1>
      %scan3A_79 = arith.constant 1 : i32
      %scan3A_80 = arith.addi %scan3A_28, %scan3A_79 : i32
      %mul3A_81 = arith.constant 16 : i32
      %mul3A_82 = arith.muli %scan3A_80, %mul3A_81 : i32
      %get3A_83 = arith.index_cast %mul3A_82 : i32 to index
      %get3A_84 = tpu.vector_load %arg9[%get3A_83] {strides = array<i32>} : memref<16384xf32, #tpu.memory_space<vmem>>, vector<16xf32>,
      %get3A_85 = arith.index_cast %mul3A_82 : i32 to index
      %get3A_86 = tpu.vector_load %arg10[%get3A_85] {strides = array<i32>} : memref<16384xi32, #tpu.memory_space<vmem>>, vector<16xi32>,
      %get3A_87 = arith.index_cast %mul3A_82 : i32 to index
      %get3A_88 = tpu.vector_load %arg11[%get3A_87] {strides = array<i32>} : memref<16384xi32, #tpu.memory_space<vmem>>, vector<16xi32>,
      %gather3A_89 = tpu.vector_load_idx %arg8[%get3A_86] : memref<16384xf32, #tpu.memory_space<vmem>>[vector<16xi32>], vector<16xf32>,
      %gather3A_90 = tpu.vector_load_idx %arg8[%get3A_88] : memref<16384xf32, #tpu.memory_space<vmem>>[vector<16xi32>], vector<16xf32>,
      %mul3A_91 = arith.constant 4.000000e-01 : f32
      %mul3A_92 = vector.broadcast %mul3A_91 : f32 to vector<16xf32>
      %mul3A_93 = arith.mulf %mul3A_92, %get3A_84 : vector<16xf32>
      %mul3A_94 = arith.constant 0.327591091 : f32
      %mul3A_95 = vector.broadcast %mul3A_94 : f32 to vector<16xf32>
      %mul3A_96 = arith.mulf %mul3A_95, %mul3A_93 : vector<16xf32>
      %add3A_97 = arith.constant 1.000000e+00 : f32
      %add3A_98 = vector.broadcast %add3A_97 : f32 to vector<16xf32>
      %add3A_99 = arith.addf %add3A_98, %mul3A_96 : vector<16xf32>
      %div3A_100 = arith.constant 1.000000e+00 : f32
      %div3A_101 = vector.broadcast %div3A_100 : f32 to vector<16xf32>
      %div3A_102 = arith.divf %div3A_101, %add3A_99 : vector<16xf32>
      %mul3A_103 = arith.constant 1.06140542 : f32
      %mul3A_104 = vector.broadcast %mul3A_103 : f32 to vector<16xf32>
      %mul3A_105 = arith.mulf %div3A_102, %mul3A_104 : vector<16xf32>
      %add3A_106 = arith.constant -1.45315206 : f32
      %add3A_107 = vector.broadcast %add3A_106 : f32 to vector<16xf32>
      %add3A_108 = arith.addf %add3A_107, %mul3A_105 : vector<16xf32>
      %mul3A_109 = arith.mulf %div3A_102, %add3A_108 : vector<16xf32>
      %add3A_110 = arith.constant 1.42141378 : f32
      %add3A_111 = vector.broadcast %add3A_110 : f32 to vector<16xf32>
      %add3A_112 = arith.addf %add3A_111, %mul3A_109 : vector<16xf32>
      %mul3A_113 = arith.mulf %div3A_102, %add3A_112 : vector<16xf32>
      %add3A_114 = arith.constant -0.284496725 : f32
      %add3A_115 = vector.broadcast %add3A_114 : f32 to vector<16xf32>
      %add3A_116 = arith.addf %add3A_115, %mul3A_113 : vector<16xf32>
      %mul3A_117 = arith.mulf %div3A_102, %add3A_116 : vector<16xf32>
      %add3A_118 = arith.constant 0.254829586 : f32
      %add3A_119 = vector.broadcast %add3A_118 : f32 to vector<16xf32>
      %add3A_120 = arith.addf %add3A_119, %mul3A_117 : vector<16xf32>
      %mul3A_121 = arith.mulf %div3A_102, %add3A_120 : vector<16xf32>
      %mul3A_122 = arith.mulf %mul3A_93, %mul3A_93 : vector<16xf32>
      %neg3A_123 = arith.constant 0.000000e+00 : f32
      %neg3A_124 = vector.broadcast %neg3A_123 : f32 to vector<16xf32>
      %neg3A_125 = arith.subf %neg3A_124, %mul3A_122 : vector<16xf32>
      %exp3A_126 = math.exp %neg3A_125 : vector<16xf32>
      %mul3A_127 = arith.mulf %mul3A_121, %exp3A_126 : vector<16xf32>
      %div3A_128 = arith.divf %mul3A_127, %get3A_84 : vector<16xf32>
      %mul3A_129 = arith.mulf %gather3A_89, %gather3A_90 : vector<16xf32>
      %mul3A_130 = arith.mulf %mul3A_129, %div3A_128 : vector<16xf32>
      %shift_right_logical3A_131 = arith.constant 8 : i32
      %shift_right_logical3A_132 = vector.broadcast %shift_right_logical3A_131 : i32 to vector<16xi32>
      %shift_right_logical3A_133 = arith.shrui %get3A_86, %shift_right_logical3A_132 : vector<16xi32>
      %add3A_134 = arith.addi %mul3A_5, %shift_right_logical3A_133 : vector<16xi32>
      %lt3A_135 = arith.constant 13.141304 : f32
      %lt3A_136 = vector.broadcast %lt3A_135 : f32 to vector<16xf32>
      %lt3A_137 = arith.cmpf olt, %get3A_84, %lt3A_136 : vector<16xf32>
      tpu.vector_store_idx %arg12[%add3A_134], %mul3A_130 masked %lt3A_137 {add = true} : memref<1024xf32, #tpu.memory_space<vmem>>[vector<16xi32>], vector<16xf32>, vector<16xi1>
      %scan3A_138 = arith.constant 2 : i32
      %scan3A_139 = arith.addi %scan3A_28, %scan3A_138 : i32
      %mul3A_140 = arith.constant 16 : i32
      %mul3A_141 = arith.muli %scan3A_139, %mul3A_140 : i32
      %get3A_142 = arith.index_cast %mul3A_141 : i32 to index
      %get3A_143 = tpu.vector_load %arg9[%get3A_142] {strides = array<i32>} : memref<16384xf32, #tpu.memory_space<vmem>>, vector<16xf32>,
      %get3A_144 = arith.index_cast %mul3A_141 : i32 to index
      %get3A_145 = tpu.vector_load %arg10[%get3A_144] {strides = array<i32>} : memref<16384xi32, #tpu.memory_space<vmem>>, vector<16xi32>,
      %get3A_146 = arith.index_cast %mul3A_141 : i32 to index
      %get3A_147 = tpu.vector_load %arg11[%get3A_146] {strides = array<i32>} : memref<16384xi32, #tpu.memory_space<vmem>>, vector<16xi32>,
      %gather3A_148 = tpu.vector_load_idx %arg8[%get3A_145] : memref<16384xf32, #tpu.memory_space<vmem>>[vector<16xi32>], vector<16xf32>,
      %gather3A_149 = tpu.vector_load_idx %arg8[%get3A_147] : memref<16384xf32, #tpu.memory_space<vmem>>[vector<16xi32>], vector<16xf32>,
      %mul3A_150 = arith.constant 4.000000e-01 : f32
      %mul3A_151 = vector.broadcast %mul3A_150 : f32 to vector<16xf32>
      %mul3A_152 = arith.mulf %mul3A_151, %get3A_143 : vector<16xf32>
      %mul3A_153 = arith.constant 0.327591091 : f32
      %mul3A_154 = vector.broadcast %mul3A_153 : f32 to vector<16xf32>
      %mul3A_155 = arith.mulf %mul3A_154, %mul3A_152 : vector<16xf32>
      %add3A_156 = arith.constant 1.000000e+00 : f32
      %add3A_157 = vector.broadcast %add3A_156 : f32 to vector<16xf32>
      %add3A_158 = arith.addf %add3A_157, %mul3A_155 : vector<16xf32>
      %div3A_159 = arith.constant 1.000000e+00 : f32
      %div3A_160 = vector.broadcast %div3A_159 : f32 to vector<16xf32>
      %div3A_161 = arith.divf %div3A_160, %add3A_158 : vector<16xf32>
      %mul3A_162 = arith.constant 1.06140542 : f32
      %mul3A_163 = vector.broadcast %mul3A_162 : f32 to vector<16xf32>
      %mul3A_164 = arith.mulf %div3A_161, %mul3A_163 : vector<16xf32>
      %add3A_165 = arith.constant -1.45315206 : f32
      %add3A_166 = vector.broadcast %add3A_165 : f32 to vector<16xf32>
      %add3A_167 = arith.addf %add3A_166, %mul3A_164 : vector<16xf32>
      %mul3A_168 = arith.mulf %div3A_161, %add3A_167 : vector<16xf32>
      %add3A_169 = arith.constant 1.42141378 : f32
      %add3A_170 = vector.broadcast %add3A_169 : f32 to vector<16xf32>
      %add3A_171 = arith.addf %add3A_170, %mul3A_168 : vector<16xf32>
      %mul3A_172 = arith.mulf %div3A_161, %add3A_171 : vector<16xf32>
      %add3A_173 = arith.constant -0.284496725 : f32
      %add3A_174 = vector.broadcast %add3A_173 : f32 to vector<16xf32>
      %add3A_175 = arith.addf %add3A_174, %mul3A_172 : vector<16xf32>
      %mul3A_176 = arith.mulf %div3A_161, %add3A_175 : vector<16xf32>
      %add3A_177 = arith.constant 0.254829586 : f32
      %add3A_178 = vector.broadcast %add3A_177 : f32 to vector<16xf32>
      %add3A_179 = arith.addf %add3A_178, %mul3A_176 : vector<16xf32>
      %mul3A_180 = arith.mulf %div3A_161, %add3A_179 : vector<16xf32>
      %mul3A_181 = arith.mulf %mul3A_152, %mul3A_152 : vector<16xf32>
      %neg3A_182 = arith.constant 0.000000e+00 : f32
      %neg3A_183 = vector.broadcast %neg3A_182 : f32 to vector<16xf32>
      %neg3A_184 = arith.subf %neg3A_183, %mul3A_181 : vector<16xf32>
      %exp3A_185 = math.exp %neg3A_184 : vector<16xf32>
      %mul3A_186 = arith.mulf %mul3A_180, %exp3A_185 : vector<16xf32>
      %div3A_187 = arith.divf %mul3A_186, %get3A_143 : vector<16xf32>
      %mul3A_188 = arith.mulf %gather3A_148, %gather3A_149 : vector<16xf32>
      %mul3A_189 = arith.mulf %mul3A_188, %div3A_187 : vector<16xf32>
      %shift_right_logical3A_190 = arith.constant 8 : i32
      %shift_right_logical3A_191 = vector.broadcast %shift_right_logical3A_190 : i32 to vector<16xi32>
      %shift_right_logical3A_192 = arith.shrui %get3A_145, %shift_right_logical3A_191 : vector<16xi32>
      %add3A_193 = arith.addi %mul3A_5, %shift_right_logical3A_192 : vector<16xi32>
      %lt3A_194 = arith.constant 13.141304 : f32
      %lt3A_195 = vector.broadcast %lt3A_194 : f32 to vector<16xf32>
      %lt3A_196 = arith.cmpf olt, %get3A_143, %lt3A_195 : vector<16xf32>
      tpu.vector_store_idx %arg12[%add3A_193], %mul3A_189 masked %lt3A_196 {add = true} : memref<1024xf32, #tpu.memory_space<vmem>>[vector<16xi32>], vector<16xf32>, vector<16xi1>
      %scan3A_197 = arith.constant 3 : i32
      %scan3A_198 = arith.addi %scan3A_28, %scan3A_197 : i32
      %mul3A_199 = arith.constant 16 : i32
      %mul3A_200 = arith.muli %scan3A_198, %mul3A_199 : i32
      %get3A_201 = arith.index_cast %mul3A_200 : i32 to index
      %get3A_202 = tpu.vector_load %arg9[%get3A_201] {strides = array<i32>} : memref<16384xf32, #tpu.memory_space<vmem>>, vector<16xf32>,
      %get3A_203 = arith.index_cast %mul3A_200 : i32 to index
      %get3A_204 = tpu.vector_load %arg10[%get3A_203] {strides = array<i32>} : memref<16384xi32, #tpu.memory_space<vmem>>, vector<16xi32>,
      %get3A_205 = arith.index_cast %mul3A_200 : i32 to index
      %get3A_206 = tpu.vector_load %arg11[%get3A_205] {strides = array<i32>} : memref<16384xi32, #tpu.memory_space<vmem>>, vector<16xi32>,
      %gather3A_207 = tpu.vector_load_idx %arg8[%get3A_204] : memref<16384xf32, #tpu.memory_space<vmem>>[vector<16xi32>], vector<16xf32>,
      %gather3A_208 = tpu.vector_load_idx %arg8[%get3A_206] : memref<16384xf32, #tpu.memory_space<vmem>>[vector<16xi32>], vector<16xf32>,
      %mul3A_209 = arith.constant 4.000000e-01 : f32
      %mul3A_210 = vector.broadcast %mul3A_209 : f32 to vector<16xf32>
      %mul3A_211 = arith.mulf %mul3A_210, %get3A_202 : vector<16xf32>
      %mul3A_212 = arith.constant 0.327591091 : f32
      %mul3A_213 = vector.broadcast %mul3A_212 : f32 to vector<16xf32>
      %mul3A_214 = arith.mulf %mul3A_213, %mul3A_211 : vector<16xf32>
      %add3A_215 = arith.constant 1.000000e+00 : f32
      %add3A_216 = vector.broadcast %add3A_215 : f32 to vector<16xf32>
      %add3A_217 = arith.addf %add3A_216, %mul3A_214 : vector<16xf32>
      %div3A_218 = arith.constant 1.000000e+00 : f32
      %div3A_219 = vector.broadcast %div3A_218 : f32 to vector<16xf32>
      %div3A_220 = arith.divf %div3A_219, %add3A_217 : vector<16xf32>
      %mul3A_221 = arith.constant 1.06140542 : f32
      %mul3A_222 = vector.broadcast %mul3A_221 : f32 to vector<16xf32>
      %mul3A_223 = arith.mulf %div3A_220, %mul3A_222 : vector<16xf32>
      %add3A_224 = arith.constant -1.45315206 : f32
      %add3A_225 = vector.broadcast %add3A_224 : f32 to vector<16xf32>
      %add3A_226 = arith.addf %add3A_225, %mul3A_223 : vector<16xf32>
      %mul3A_227 = arith.mulf %div3A_220, %add3A_226 : vector<16xf32>
      %add3A_228 = arith.constant 1.42141378 : f32
      %add3A_229 = vector.broadcast %add3A_228 : f32 to vector<16xf32>
      %add3A_230 = arith.addf %add3A_229, %mul3A_227 : vector<16xf32>
      %mul3A_231 = arith.mulf %div3A_220, %add3A_230 : vector<16xf32>
      %add3A_232 = arith.constant -0.284496725 : f32
      %add3A_233 = vector.broadcast %add3A_232 : f32 to vector<16xf32>
      %add3A_234 = arith.addf %add3A_233, %mul3A_231 : vector<16xf32>
      %mul3A_235 = arith.mulf %div3A_220, %add3A_234 : vector<16xf32>
      %add3A_236 = arith.constant 0.254829586 : f32
      %add3A_237 = vector.broadcast %add3A_236 : f32 to vector<16xf32>
      %add3A_238 = arith.addf %add3A_237, %mul3A_235 : vector<16xf32>
      %mul3A_239 = arith.mulf %div3A_220, %add3A_238 : vector<16xf32>
      %mul3A_240 = arith.mulf %mul3A_211, %mul3A_211 : vector<16xf32>
      %neg3A_241 = arith.constant 0.000000e+00 : f32
      %neg3A_242 = vector.broadcast %neg3A_241 : f32 to vector<16xf32>
      %neg3A_243 = arith.subf %neg3A_242, %mul3A_240 : vector<16xf32>
      %exp3A_244 = math.exp %neg3A_243 : vector<16xf32>
      %mul3A_245 = arith.mulf %mul3A_239, %exp3A_244 : vector<16xf32>
      %div3A_246 = arith.divf %mul3A_245, %get3A_202 : vector<16xf32>
      %mul3A_247 = arith.mulf %gather3A_207, %gather3A_208 : vector<16xf32>
      %mul3A_248 = arith.mulf %mul3A_247, %div3A_246 : vector<16xf32>
      %shift_right_logical3A_249 = arith.constant 8 : i32
      %shift_right_logical3A_250 = vector.broadcast %shift_right_logical3A_249 : i32 to vector<16xi32>
      %shift_right_logical3A_251 = arith.shrui %get3A_204, %shift_right_logical3A_250 : vector<16xi32>
      %add3A_252 = arith.addi %mul3A_5, %shift_right_logical3A_251 : vector<16xi32>
      %lt3A_253 = arith.constant 13.141304 : f32
      %lt3A_254 = vector.broadcast %lt3A_253 : f32 to vector<16xf32>
      %lt3A_255 = arith.cmpf olt, %get3A_202, %lt3A_254 : vector<16xf32>
      tpu.vector_store_idx %arg12[%add3A_252], %mul3A_248 masked %lt3A_255 {add = true} : memref<1024xf32, #tpu.memory_space<vmem>>[vector<16xi32>], vector<16xf32>, vector<16xi1>
    }
    %scan3A_15 = arith.constant 1024 : i32
    %scan3A_16 = arith.constant 0 : i32
    %scan3A_17 = arith.constant 4 : i32
    %scan3A_18 = arith.addi %scan3A_16, %scan3A_17 : i32
    %scan3A_19 = arith.constant 1 : i32
    scf.for %scan3A_28 = %scan3A_16 to %scan3A_18 step %scan3A_19  : i32 {
      %scan3A_29 = arith.constant 0 : i32
      %scan3A_30 = arith.constant 16 : i32
      %scan3A_31 = arith.addi %scan3A_29, %scan3A_30 : i32
      %scan3A_32 = arith.constant 1 : i32
      %scan3A_33 = scf.for %scan3A_41 = %scan3A_29 to %scan3A_31 step %scan3A_32 iter_args(%scan3A_42 = %broadcast_in_dim3A_6) -> (vector<16xf32>)  : i32 {
        %mul3A_43 = arith.constant 64 : i32
        %mul3A_44 = arith.muli %scan3A_41, %mul3A_43 : i32
        %mul3A_45 = arith.constant 16 : i32
        %mul3A_46 = arith.muli %scan3A_28, %mul3A_45 : i32
        %add3A_47 = arith.addi %mul3A_44, %mul3A_46 : i32
        %get3A = arith.index_cast %add3A_47 : i32 to index
        %get3A_48 = tpu.vector_load %arg12[%get3A] {strides = array<i32>} : memref<1024xf32, #tpu.memory_space<vmem>>, vector<16xf32>,
        %add3A_49 = arith.addf %scan3A_42, %get3A_48 : vector<16xf32>
        scf.yield %add3A_49 : vector<16xf32>
      }
      %scan3A_34 = arith.constant 16 : i32
      %mul3A_35 = arith.constant 7.1998229 : f32
      %mul3A_36 = vector.broadcast %mul3A_35 : f32 to vector<16xf32>
      %mul3A_37 = arith.mulf %scan3A_33, %mul3A_36 : vector<16xf32>
      %mul3A_38 = arith.constant 16 : i32
      %mul3A_39 = arith.muli %scan3A_28, %mul3A_38 : i32
      %swap3A = arith.index_cast %mul3A_39 : i32 to index
      %swap3A_40 = tpu.vector_load %arg13[%swap3A] {strides = array<i32>} : memref<64xf32, #tpu.memory_space<vmem>>, vector<16xf32>,
      tpu.vector_store %arg13[%swap3A], %mul3A_37 {strides = array<i32>} : memref<64xf32, #tpu.memory_space<vmem>>, vector<16xf32>,
    }
    %scan3A_20 = arith.constant 4 : i32
    %eq3A = arith.constant 0 : i32
    %eq3A_21 = arith.cmpi eq, %arg0, %eq3A : i32
    %convert_element_type3A = arith.extui %eq3A_21 : i1 to i32
    %cond3A = arith.constant 0 : i32
    %cond3A_22 = arith.cmpi ne, %convert_element_type3A, %cond3A : i32
    scf.if %cond3A_22 {
      "tpu.region"() ({
        %run_scoped3A = tpu.sem_alloc : memref<!tpu.dma_semaphore, #tpu.memory_space<semaphore_mem>>
        %dma_start3A = arith.constant 0 : i32
        %dma_start3A_28 = tpu.memref_slice %arg6[%arg1, %dma_start3A] : memref<16x64xf32, #tpu.memory_space<hbm>> -> memref<1x64xf32, #tpu.memory_space<hbm>>
        %dma_start3A_29 = tpu.memref_squeeze %dma_start3A_28 : memref<1x64xf32, #tpu.memory_space<hbm>> -> memref<64xf32, #tpu.memory_space<hbm>>
        %dma_start3A_30 = arith.constant 0 : i32
        %dma_start3A_31 = tpu.memref_slice %arg6[%arg1, %dma_start3A_30] : memref<16x64xf32, #tpu.memory_space<hbm>> -> memref<1x64xf32, #tpu.memory_space<hbm>>
        %dma_start3A_32 = tpu.memref_squeeze %dma_start3A_31 : memref<1x64xf32, #tpu.memory_space<hbm>> -> memref<64xf32, #tpu.memory_space<hbm>>
        tpu.enqueue_dma source(%arg13 : memref<64xf32, #tpu.memory_space<vmem>>) target(%dma_start3A_32 : memref<64xf32, #tpu.memory_space<hbm>>) target_semaphore(%run_scoped3A : memref<!tpu.dma_semaphore, #tpu.memory_space<semaphore_mem>>)
        %dma_wait3A = arith.constant 0 : i32
        %dma_wait3A_33 = tpu.memref_slice %arg6[%arg1, %dma_wait3A] : memref<16x64xf32, #tpu.memory_space<hbm>> -> memref<1x64xf32, #tpu.memory_space<hbm>>
        %dma_wait3A_34 = tpu.memref_squeeze %dma_wait3A_33 : memref<1x64xf32, #tpu.memory_space<hbm>> -> memref<64xf32, #tpu.memory_space<hbm>>
        %dma_wait3A_35 = arith.constant 0 : i32
        %dma_wait3A_36 = tpu.memref_slice %arg6[%arg1, %dma_wait3A_35] : memref<16x64xf32, #tpu.memory_space<hbm>> -> memref<1x64xf32, #tpu.memory_space<hbm>>
        %dma_wait3A_37 = tpu.memref_squeeze %dma_wait3A_36 : memref<1x64xf32, #tpu.memory_space<hbm>> -> memref<64xf32, #tpu.memory_space<hbm>>
        tpu.wait_dma2 semaphore(%run_scoped3A : memref<!tpu.dma_semaphore, #tpu.memory_space<semaphore_mem>>) src(%arg13 : memref<64xf32, #tpu.memory_space<vmem>>) dst(%dma_wait3A_37 : memref<64xf32, #tpu.memory_space<hbm>>)
        tpu.yield
      }) : () -> ()
    } else {
    }
    %eq3A_23 = arith.constant 1 : i32
    %eq3A_24 = arith.cmpi eq, %arg0, %eq3A_23 : i32
    %convert_element_type3A_25 = arith.extui %eq3A_24 : i1 to i32
    %cond3A_26 = arith.constant 0 : i32
    %cond3A_27 = arith.cmpi ne, %convert_element_type3A_25, %cond3A_26 : i32
    scf.if %cond3A_27 {
      "tpu.region"() ({
        %run_scoped3A = tpu.sem_alloc : memref<!tpu.dma_semaphore, #tpu.memory_space<semaphore_mem>>
        %dma_start3A = arith.constant 0 : i32
        %dma_start3A_28 = tpu.memref_slice %arg7[%arg1, %dma_start3A] : memref<16x64xf32, #tpu.memory_space<hbm>> -> memref<1x64xf32, #tpu.memory_space<hbm>>
        %dma_start3A_29 = tpu.memref_squeeze %dma_start3A_28 : memref<1x64xf32, #tpu.memory_space<hbm>> -> memref<64xf32, #tpu.memory_space<hbm>>
        %dma_start3A_30 = arith.constant 0 : i32
        %dma_start3A_31 = tpu.memref_slice %arg7[%arg1, %dma_start3A_30] : memref<16x64xf32, #tpu.memory_space<hbm>> -> memref<1x64xf32, #tpu.memory_space<hbm>>
        %dma_start3A_32 = tpu.memref_squeeze %dma_start3A_31 : memref<1x64xf32, #tpu.memory_space<hbm>> -> memref<64xf32, #tpu.memory_space<hbm>>
        tpu.enqueue_dma source(%arg13 : memref<64xf32, #tpu.memory_space<vmem>>) target(%dma_start3A_32 : memref<64xf32, #tpu.memory_space<hbm>>) target_semaphore(%run_scoped3A : memref<!tpu.dma_semaphore, #tpu.memory_space<semaphore_mem>>)
        %dma_wait3A = arith.constant 0 : i32
        %dma_wait3A_33 = tpu.memref_slice %arg7[%arg1, %dma_wait3A] : memref<16x64xf32, #tpu.memory_space<hbm>> -> memref<1x64xf32, #tpu.memory_space<hbm>>
        %dma_wait3A_34 = tpu.memref_squeeze %dma_wait3A_33 : memref<1x64xf32, #tpu.memory_space<hbm>> -> memref<64xf32, #tpu.memory_space<hbm>>
        %dma_wait3A_35 = arith.constant 0 : i32
        %dma_wait3A_36 = tpu.memref_slice %arg7[%arg1, %dma_wait3A_35] : memref<16x64xf32, #tpu.memory_space<hbm>> -> memref<1x64xf32, #tpu.memory_space<hbm>>
        %dma_wait3A_37 = tpu.memref_squeeze %dma_wait3A_36 : memref<1x64xf32, #tpu.memory_space<hbm>> -> memref<64xf32, #tpu.memory_space<hbm>>
        tpu.wait_dma2 semaphore(%run_scoped3A : memref<!tpu.dma_semaphore, #tpu.memory_space<semaphore_mem>>) src(%arg13 : memref<64xf32, #tpu.memory_space<vmem>>) dst(%dma_wait3A_37 : memref<64xf32, #tpu.memory_space<hbm>>)
        tpu.yield
      }) : () -> ()
    } else {
    }
    return
  }
}

module attributes {stable_mosaic.version = 14 : i64} {
  func.func @_tc_body(%arg0: memref<64x8xf32, #tpu.memory_space<vmem>>, %arg1: memref<6x16384xf32, #tpu.memory_space<vmem>>, %arg2: memref<64x256xf32, #tpu.memory_space<vmem>>, %arg3: memref<64xf32, #tpu.memory_space<vmem>>) attributes {dimension_semantics = [], scalar_prefetch = 0 : i64, scratch_operands = 0 : i64, tpu.core_type = #tpu.core_type<tc>} {
    %get3A = arith.constant 0 : index
    %get3A_0 = arith.constant 0 : index
    %get3A_1 = vector.load %arg0[%get3A, %get3A_0] : memref<64x8xf32, #tpu.memory_space<vmem>>, vector<64x8xf32>
    %get3A_2 = arith.constant 0 : index
    %get3A_3 = arith.constant 0 : index
    %get3A_4 = vector.load %arg1[%get3A_2, %get3A_3] : memref<6x16384xf32, #tpu.memory_space<vmem>>, vector<6x16384xf32>
    %slice3A = vector.extract_strided_slice %get3A_1 {offsets = [0, 0], sizes = [64, 6], strides = [1, 1]} : vector<64x8xf32> to vector<64x6xf32>
    %dot_general3A = arith.constant dense<0.000000e+00> : vector<64x16384xf32>
    %dot_general3A_5 = tpu.matmul %slice3A, %get3A_4, %dot_general3A {dimension_numbers = #tpu.dot_dimension_numbers<[1], [0], [0], [1], [0, 0, 1, 1], [], []>, transpose_lhs_hint = false} : vector<64x6xf32>, vector<6x16384xf32>, vector<64x16384xf32> -> vector<64x16384xf32>
    %mul3A = arith.constant -1.562500e+00 : f32
    %mul3A_6 = vector.broadcast %mul3A : f32 to vector<64x16384xf32>
    %mul3A_7 = arith.mulf %dot_general3A_5, %mul3A_6 : vector<64x16384xf32>
    %exp3A = math.exp %mul3A_7 : vector<64x16384xf32>
    %le3A = arith.constant 17.6838531 : f32
    %le3A_8 = vector.broadcast %le3A : f32 to vector<64x16384xf32>
    %le3A_9 = arith.cmpf ole, %dot_general3A_5, %le3A_8 : vector<64x16384xf32>
    %gt3A = arith.constant 0.000000e+00 : f32
    %gt3A_10 = vector.broadcast %gt3A : f32 to vector<64x16384xf32>
    %gt3A_11 = arith.cmpf ogt, %dot_general3A_5, %gt3A_10 : vector<64x16384xf32>
    %and3A = arith.andi %le3A_9, %gt3A_11 : vector<64x16384xi1>
    %div3A = arith.divf %exp3A, %dot_general3A_5 : vector<64x16384xf32>
    %jit3A = arith.constant 0.000000e+00 : f32
    %broadcast_in_dim3A = vector.broadcast %jit3A : f32 to vector<64x16384xf32>
    %select_n3A = arith.select %and3A, %div3A, %broadcast_in_dim3A : vector<64x16384xi1>, vector<64x16384xf32>
    %reduce_sum3A = arith.constant dense<0.000000e+00> : vector<64xf32>
    %reduce_sum3A_12 = vector.multi_reduction <add>, %select_n3A, %reduce_sum3A [1] : vector<64x16384xf32> to vector<64xf32>
    %get3A_13 = arith.constant 0 : index
    %get3A_14 = arith.constant 0 : index
    %get3A_15 = vector.load %arg2[%get3A_13, %get3A_14] : memref<64x256xf32, #tpu.memory_space<vmem>>, vector<64x256xf32>
    %mul3A_16 = arith.mulf %get3A_15, %get3A_15 : vector<64x256xf32>
    %reduce_sum3A_17 = arith.constant dense<0.000000e+00> : vector<64xf32>
    %reduce_sum3A_18 = vector.multi_reduction <add>, %mul3A_16, %reduce_sum3A_17 [1] : vector<64x256xf32> to vector<64xf32>
    %slice3A_19 = vector.extract_strided_slice %get3A_1 {offsets = [0, 6], sizes = [64, 1], strides = [1, 1]} : vector<64x8xf32> to vector<64x1xf32>
    %squeeze3A = vector.shape_cast %slice3A_19 : vector<64x1xf32> to vector<64xf32>
    %mul3A_20 = arith.mulf %reduce_sum3A_12, %squeeze3A : vector<64xf32>
    %add3A = arith.constant -3.24965191 : f32
    %add3A_21 = vector.broadcast %add3A : f32 to vector<64xf32>
    %add3A_22 = arith.addf %mul3A_20, %add3A_21 : vector<64xf32>
    %mul3A_23 = arith.mulf %add3A_22, %reduce_sum3A_18 : vector<64xf32>
    %swap3A = arith.constant 0 : index
    %swap3A_24 = vector.load %arg3[%swap3A] : memref<64xf32, #tpu.memory_space<vmem>>, vector<64xf32>
    tpu.vector_store %arg3[%swap3A], %mul3A_23 {strides = array<i32>} : memref<64xf32, #tpu.memory_space<vmem>>, vector<64xf32>,
    return
  }
}

</mosaic_0001>

<sc_bundles>
// kernel: kernel.4.cloned.1.call-start
scs
__scs_entry_jumppad:
0x0: {  	(pc) =	sbr.rel $0x88, $3  }
0x1: {  	(tag) =	ssettag $0x0;
	lr =	simm.s32 $0x1  }
0x2: {  	[smem:$0x3F9D] =	sst lr;
	_ =	strace $0xD0000000  }
0x3: {  	_ = 	snop  }
0x4: {  	_ = 	snop  }
0x5: {  	_ = 	snop  }
0x6: {  	_ = 	snop  }
0x7: {  	_ = 	snop  }
__scs_overlays_trampoline_lowered:
0x8: {  	[smem:$0x3FAC] =	sst s0  }
0x9: {  	[smem:$0x3FAD] =	sst s1  }
0xa: {  	[smem:$0x3FAE] =	sst s2  }
0xb: {  	[smem:$0x3FAF] =	sst s3  }
0xc: {  	[smem:$0x3FB0] =	sst s4  }
0xd: {  	[smem:$0x3FB1] =	sst s5  }
0xe: {  	[smem:$0x3FB2] =	sst s6  }
0xf: {  	[smem:$0x3FB3] =	sst s7  }
0x10: {  	[smem:$0x3FB4] =	sst s8  }
0x11: {  	[smem:$0x3FB5] =	sst s9;
	s0 =	simm.s32 @!p0 $0x0  }
0x12: {  	s1 =	sld [smem:$0x3F9B];
	s0 =	simm.s32 @p0 $0x1  }
0x13: {  	[smem:$0x3FB6] =	sst s0;
	s0 =	simm.s32 @!p1 $0x0  }
0x14: {  	s2 =	sld [smem:$0x3F9A];
	s0 =	simm.s32 @p1 $0x1  }
0x15: {  	[smem:$0x3FB7] =	sst s0;
	s0 =	simm.s32 @!p2 $0x0  }
0x16: {  	s3 =	sld [smem:$0x3FDB];
	s0 =	simm.s32 @p2 $0x1  }
0x17: {  	s4 =	simm.s32 $0x1BF5;
	[smem:$0x3FB9] =	sst s0  }
0x18: {  	s0 =	sld [smem:$0x3F9C];
	_ =	swait.ge [sflag:s4], $0x0  }
0x19: {  	s7 =	sld [smem:$0x3F9D]  }
0x1a: {  	s8 =	sadd.s32 $0xFFFFE003, lr  }
0x1b: {  	s9 =	sadd.s32 $0xFFFFFEF7, lr;
	s5 =	simm.s32 $0xFFFFFFFF;
	p2 =	slt.u32 s8, $0xFFFFF086  }
0x1c: {  	p1 =	slt.u32 s9, $0xF7A;
	s5 =	simm.s32 @!p2 $0x0  }
0x1d: {  	s5 =	simm.s32 @p1 $0x1;
	p0 =	seq.s32 s7, s2  }
0x1e: {  	s7 =	smul.u32 @!p0 $0xF7A, s2;
	p2 =	seq.s32 @!p0 s5, $0x0  }
0x1f: {  	s9 =	smul.u32 $0xF7A, s1;
	s8 =	simm.s32 @!p0 $0x1BF5;
	p2 =	por !p2, p0  }
0x20: {  	[sflag:s8] =	ssyncset.s32 @!p0 $0xFFFFF086;
	s6 =	sadd.s32 @!p0 s3, s7;
	s7 =	simm.s32 @!p0 $0x108  }
0x21: {  	s3 =	sadd.s32 s3, s9;
	s6 =	sadd.s32 @!p0 $0x88, s6;
	s7 =	simm.s32 @p2 $0x1082  }
0x22: {  	[simem:s7], [sflag:s8] =	dma.local @!p0 [hbm:s6], $0xF7A  }
0x23: {  	s9 =	sor.u32 $0xD0000000, s2;
	s6 =	simm.s32 $0x108;
	_ =	swait.ge @!p0 [sflag:s8], $0x0  }
0x24: {  	s3 =	sadd.s32 $0x88, s3;
	s6 =	simm.s32 @!p1 $0x1082;
	[sflag:s4] =	ssyncset.s32 $0xFFFFF086  }
0x25: {  	[simem:s6], [sflag:s4] =	dma.local [hbm:s3], $0xF7A  }
0x26: {  	[smem:$0x3F9D] =	sst s1;
	(tag) =	ssettag s2;
	_ =	strace s9  }
0x27: {  	s1 =	sld [smem:$0x3FAD]  }
0x28: {  	s2 =	sld [smem:$0x3FAE]  }
0x29: {  	s4 =	sld [smem:$0x3FB0]  }
0x2a: {  	p0 =	seq.s32 s5, $0x0;
	s5 =	sld [smem:$0x3FB1]  }
0x2b: {  	s6 =	sld [smem:$0x3FB2]  }
0x2c: {  	s7 =	sld [smem:$0x3FB3]  }
0x2d: {  	s3 =	simm.s32 $0x108;
	s8 =	sld [smem:$0x3FB4]  }
0x2e: {  	s3 =	simm.s32 @!p0 $0x1082;
	s9 =	sld [smem:$0x3FB5]  }
0x2f: {  	lr =	sadd.s32 s0, s3;
	s0 =	sld [smem:$0x3FAC]  }
0x30: {  	s3 =	sld [smem:$0x3FAF]  }
0x31: {  	[smem:$0x3FB8] =	sst s10  }
0x32: {  	s10 =	sld [smem:$0x3FB6];
	_ =	sdelay $0x3  }
0x33: {  	p0 =	seq.s32 s10, $0x1;
	s10 =	sld [smem:$0x3FB8];
	_ =	sdelay $0x3  }
0x34: {  	[smem:$0x3FB8] =	sst s10  }
0x35: {  	s10 =	sld [smem:$0x3FB7];
	_ =	sdelay $0x3  }
0x36: {  	p1 =	seq.s32 s10, $0x1;
	s10 =	sld [smem:$0x3FB8];
	_ =	sdelay $0x3  }
0x37: {  	[smem:$0x3FB8] =	sst s10  }
0x38: {  	s10 =	sld [smem:$0x3FB9]  }
0x39: {  	_ = 	snop;
	(pc) =	sbr.ind lr, $3  }
0x3a: {  	_ = 	snop  }
0x3b: {  	_ = 	snop  }
0x3c: {  	p2 =	seq.s32 s10, $0x1;
	s10 =	sld [smem:$0x3FB8]  }
0x3d: {  	_ =	shalt  }
0x3e: {  	_ =	shalt  }
0x3f: {  	_ =	shalt  }
0x40: {  	_ =	shalt  }
0x41: {  	_ =	shalt  }
0x42: {  	_ =	shalt  }
0x43: {  	_ =	shalt  }
0x44: {  	_ =	shalt  }
0x45: {  	_ =	shalt  }
0x46: {  	_ =	shalt  }
0x47: {  	_ =	shalt  }
0x48: {  	_ =	shalt  }
0x49: {  	_ =	shalt  }
0x4a: {  	_ =	shalt  }
0x4b: {  	_ =	shalt  }
0x4c: {  	_ =	shalt  }
0x4d: {  	_ =	shalt  }
0x4e: {  	_ =	shalt  }
0x4f: {  	_ =	shalt  }
0x50: {  	_ =	shalt  }
0x51: {  	_ =	shalt  }
0x52: {  	_ =	shalt  }
0x53: {  	_ =	shalt  }
0x54: {  	_ =	shalt  }
0x55: {  	_ =	shalt  }
0x56: {  	_ =	shalt  }
0x57: {  	_ =	shalt  }
0x58: {  	_ =	shalt  }
0x59: {  	_ =	shalt  }
0x5a: {  	_ =	shalt  }
0x5b: {  	_ =	shalt  }
0x5c: {  	_ =	shalt  }
0x5d: {  	_ =	shalt  }
0x5e: {  	_ =	shalt  }
0x5f: {  	_ =	shalt  }
0x60: {  	_ =	shalt  }
0x61: {  	_ =	shalt  }
0x62: {  	_ =	shalt  }
0x63: {  	_ =	shalt  }
0x64: {  	_ =	shalt  }
0x65: {  	_ =	shalt  }
0x66: {  	_ =	shalt  }
0x67: {  	_ =	shalt  }
0x68: {  	_ =	shalt  }
0x69: {  	_ =	shalt  }
0x6a: {  	_ =	shalt  }
0x6b: {  	_ =	shalt  }
0x6c: {  	_ =	shalt  }
0x6d: {  	_ =	shalt  }
0x6e: {  	_ =	shalt  }
0x6f: {  	_ =	shalt  }
0x70: {  	_ =	shalt  }
0x71: {  	_ =	shalt  }
0x72: {  	_ =	shalt  }
0x73: {  	_ =	shalt  }
0x74: {  	_ =	shalt  }
0x75: {  	_ =	shalt  }
0x76: {  	_ =	shalt  }
0x77: {  	_ =	shalt  }
0x78: {  	_ =	shalt  }
0x79: {  	_ =	shalt  }
0x7a: {  	_ =	shalt  }
0x7b: {  	_ =	shalt  }
0x7c: {  	_ =	shalt  }
0x7d: {  	_ =	shalt  }
0x7e: {  	_ =	shalt  }
0x7f: {  	_ =	shalt  }
0x80: {  	_ =	shalt  }
0x81: {  	_ =	shalt  }
0x82: {  	_ =	shalt  }
0x83: {  	_ =	shalt  }
0x84: {  	_ =	shalt  }
0x85: {  	_ =	shalt  }
0x86: {  	_ =	shalt  }
0x87: {  	_ =	shalt  }
.Lfunc_end0:
.L_simem_size_0:
called_computation_lowered:
.L_overlay_start_0:
0x88: {  	s2 =	sld [smem:$0x3FD9]  }
0x89: {  	s3 =	sld [smem:$0x3FFE];
	_ =	sdelay $0x1  }
0x8a: {  	s1 =	srdreg.scid  }
0x8b: {  	s0 =	sand.u32 $0x1, s1  }
0x8c: {  	s17 =	sshll.u32 s0, $0xA;
	s2 =	sadd.s32 s3, s2  }
0x8d: {  	s2 =	sadd.s32 s2, s17  }
0x8e: {  	[smem:$0x3FC4] =	sst s2  }
0x8f: {  	_ = 	snop  }
0x90: {  	s2 =	sld [smem:$0x3FC9]  }
0x91: {  	s18 =	sld [smem:$0x3FC7];
	(tm) =	ssettm $0x1  }
0x92: {  	s4 =	sld [smem:$0x3FFB];
	_ =	sdelay $0x3  }
0x93: {  	_ =	strace s4  }
0x94: {  	s4 =	sld [smem:$0x3FFC];
	_ =	sdelay $0x3  }
0x95: {  	_ =	strace s4  }
0x96: {  	s4 =	sld [smem:$0x3FFD];
	_ =	sdelay $0x3  }
0x97: {  	_ =	strace s4  }
0x98: {  	_ =	strace $0x8FFFFFFF  }
0x99: {  	s19 =	sld [smem:$0x3FDB];
	_ =	sdelay $0x1  }
0x9a: {  	s5 =	simm.s32 $_scs_section_size  }
0x9b: {  	s6 =	simm.s32 $_size__tile_overlayer_lowered;
	s7 =	simm.s32 $_tile_overlayer_lowered  }
0x9c: {  	s22 =	simm.s32 $0x1BFF;
	s21 =	sshll.u32 s7, $0x1;
	s4 =	sadd.s32 s5, s19  }
0x9d: {  	s8 =	simm.s32 $0x0;
	s20 =	sshll.u32 s6, $0x1;
	s6 =	sadd.s32 s21, s4  }
0x9e: {  	[timem:s8], [sflag:s22] =	dma.local [hbm:s6], s20  }
0x9f: {  	_ =	swait.ge [sflag:s22], s20  }
0xa0: {  	s5 =	ssub.s32 $0x0, s20;
	[sflag:s22] =	ssyncset.done $0x0  }
0xa1: {  	[sflag:s22] =	ssyncadd.s32 s5;
	_ =	sdelay $0x1  }
0xa2: {  	s23 =	simm.s32 $0x1B8B  }
0xa3: {  	_ =	swait.ge [sflag:s23], $0x1  }
0xa4: {  	[sflag:s23] =	ssyncset.done $0x0  }
0xa5: {  	s25 =	simm.s32 $0x1B8E;
	s24 =	sld [smem:$0x3FFE];
	[sflag:s23] =	ssyncadd.s32 $0xFFFFFFFF  }
0xa6: {  	s26 =	simm.s32 $execute0_lowered;
	[smem:$0x3FD2] =	sst s25  }
0xa7: {  	s6 =	sshll.u32 s26, $0x1;
	_ =	strace $0x80000046;
	[dreg:$0x1] =	wrdreg $0xFFFFFFFF  }
0xa8: {  	s28 =	simm.s32 $_size_execute0_lowered;
	s4 =	sadd.s32 s4, s6;
	[dreg:$0x0] =	wrdreg $0x0  }
0xa9: {  	s6 =	sshll.u32 s28, $0x1;
	[dreg:$0x2] =	wrdreg s4  }
0xaa: {  	[dreg:$0x3] =	wrdreg s6  }
0xab: {  	[dreg:$0x4] =	wrdreg $0xC0  }
0xac: {  	_ =	task [dreg:s8], $0x5FFFF  }
0xad: {  	[dreg:$0x1] =	wrdreg $0xFFFFFFFF  }
0xae: {  	[dreg:$0x0] =	wrdreg $0x60  }
0xaf: {  	[dreg:$0x2] =	wrdreg s2  }
0xb0: {  	[dreg:$0x3] =	wrdreg s24  }
0xb1: {  	[dreg:$0x4] =	wrdreg s18  }
0xb2: {  	[dreg:$0x5] =	wrdreg $0x9  }
0xb3: {  	_ =	task.clear_ibuf [dreg:s8], $0x6FFFF;
	_ =	strace $0x90000046  }
0xb4: {  	s29 =	simm.s32 $0x9;
	_ =	strace $0x80000048  }
0xb5: {  	_ =	swait.ge [sflag:s29], $0x1  }
0xb6: {  	[sflag:s29] =	ssyncadd.s32 $0xFFFFFFFF  }
0xb7: {  	_ =	strace $0x90000048  }
0xb8: {  	_ =	sfence  }
0xb9: {  	s30 =	sld [smem:$0x0];
	_ =	sdelay $0x2  }
0xba: {  	s31 =	sshll.u32 s1, $0xD;
	s1 =	sshrl.u32 s1, $0x2  }
0xbb: {  	s3 =	sand.u32 $0x4000, s31;
	s1 =	sadd.s32 s1, s30  }
0xbc: {  	s0 =	sor.u32 s3, s0;
	s1 =	sshll.u32 s1, $0x11  }
0xbd: {  	s0 =	sor.u32 s1, s0  }
0xbe: {  	s0 =	sadd.s32 $0x8F2B, s0  }
0xbf: {  	[sflag:s0] =	ssyncadd.remote.s32 $0x1  }
0xc0: {  	_ =	sfence.sel $0xFFFF  }
0xc1: {  	[dreg:$0x0] =	wrdreg $0xFFFFFFFF;
	(pc) =	sbr.abs _section_cstart, $3  }
0xc2: {  	[dreg:$0x1] =	wrdreg $0xFFFFFFFF  }
0xc3: {  	_ =	task.clear_ibuf [dreg:s8], $0x2FFFF;
	_ =	strace $0x9FFFFFFF  }
0xc4: {  	(tm) =	ssettm $0x7FFFFFFF  }
0xc5: {  	_ =	shalt  }
tec
execute0_lowered:
.L_overlay_start_1:
0x0: {  	(tag) =	ssettag $0x1  }
0x1: {  	s4 =	rddreg [dreg:$0x0]  }
0x2: {  	s7 =	rddreg [dreg:$0x1]  }
0x3: {  	s1 =	rddreg [dreg:$0x2]  }
0x4: {  	s3 =	srdreg.scid;
	s0 =	rddreg [dreg:$0x3];
	s2 =	simm.s32 $0x0  }
0x5: {  	s11 =	simm.s32 $0x8000;
	s12 =	simm.s32 $0xC000;
	s13 =	simm.s32 $0x10000  }
0x6: {  	s14 =	simm.s32 $0x10400;
	s15 =	simm.s32 $0x0;
	s5 =	sand.u32 $0x1, s3  }
0x7: {  	[smem:$0x7FF] =	sst s2;
	s3 =	stileid.u32;
	s6 =	ssub.s32 $0x2, s5  }
0x8: {  	_ =	strace $0x80000047;
	s31 =	sshll.u32 s5, $0xF;
	s9 =	sshll.u32 s3, $0xB  }
0x9: {  	p0 =	seq.s32 s5, $0x1;
	s10 =	sshll.u32 s3, $0x4;
	s8 =	sshrl.u32 s6, $0x1  }
0xa: {  	s8 =	ssub.s32 s6, s8;
	s6 =	sor.u32 s9, s31;
	s9 =	simm.s32 $0x20200  }
0xb: {  	s4 =	sadd.s32 s4, s6;
	s5 =	sadd.s32 s7, s6;
	s9 =	simm.s32 @!p0 $0x20000  }
0xc: {  	v1 =	vlaneseq.u32;
	s6 =	sadd.s32 $0x10000, s5;
	s9 =	sadd.s32 s9, s7;
	s7 =	smax.u32 s8, $0x1  }
0xd: {  	v0 =	vimm.f32 $0.0e+00;
	v1 =	vmul.u32 $0x40, v1;
	s8 =	sadd.s32 s9, s10;
	s9 =	simm.s32 $0x1;
	s10 =	simm.s32 $0x4000  }
.LBB2_1:
0xe: {  	[tilespmem:s2], [sflag:$0x1] =	stream.linear.gather [hbm4b:s1+s2], $0x4000, $0x38;
	[tilespmem:$0x10480] =	vst v63  }
0xf: {  	_ =	swait.ge [sflag:s9], $0x4000  }
0x10: {  	[sflag:s9] =	ssyncset.done $0x0  }
0x11: {  	[sflag:s9] =	ssyncadd.s32 $0xFFFFC000  }
0x12: {  	[tilespmem:s10], [sflag:$0x1] =	stream.linear.gather [hbm4b:s4+s2], $0x4000, $0x38;
	[tilespmem:$0x10480] =	vst v63  }
0x13: {  	_ =	swait.ge [sflag:s9], $0x4000  }
0x14: {  	[sflag:s9] =	ssyncset.done $0x0  }
0x15: {  	[sflag:s9] =	ssyncadd.s32 $0xFFFFC000  }
0x16: {  	[tilespmem:s11], [sflag:$0x1] =	stream.linear.gather [hbm4b:s6+s2], $0x4000, $0x38;
	[tilespmem:$0x10480] =	vst v63  }
0x17: {  	_ =	swait.ge [sflag:s9], $0x4000  }
0x18: {  	[sflag:s9] =	ssyncset.done $0x0  }
0x19: {  	[sflag:s9] =	ssyncadd.s32 $0xFFFFC000  }
0x1a: {  	[tilespmem:s12], [sflag:$0x1] =	stream.linear.gather [hbm4b:s5+s2], $0x4000, $0x38;
	[tilespmem:$0x10480] =	vst v63  }
0x1b: {  	_ =	swait.ge [sflag:s9], $0x4000  }
0x1c: {  	[sflag:s9] =	ssyncset.done $0x0  }
0x1d: {  	s16 =	simm.s32 $0x0;
	[sflag:s9] =	ssyncadd.s32 $0xFFFFC000  }
.LBB2_2:
0x1e: {  	p0 =	sne.s32 s16, $0xFC0  }
.Ltmp0:
0x1f: {  	_ = 	snop;
	(pc) =	sbr.rel @p0 .LBB2_2-.Ltmp0, $3  }
0x20: {  	_ =	sdelay $0x1  }
0x21: {  	s17 =	sshra.s32 s16, $0x2  }
0x22: {  	s16 =	sadd.s32 $0x40, s16;
	[tilespmem:s17+$0x10000] =	vst v0  }
0x23: {  	s18 =	simm.s32 $0x4020  }
0x24: {  	v2 =	vld [tilespmem:s18+$0xFFFFFFE0];
	_ =	sdelay $0x4  }
0x25: {  	v3 =	vmul.f32 $4.000000060e-01, v2;
	_ =	sdelay $0x1  }
0x26: {  	v4 =	vmul.f32 $3.275910910e-01, v3;
	_ =	sdelay $0x1  }
0x27: {  	v4 =	vadd.f32 $1.000000000e+00, v4;
	_ =	sdelay $0x1  }
0x28: {  	(erf) = vrcp.f32 v4;
	_ =	sdelay $0x8  }
0x29: {  	v4 =	vpop (erf)  }
0x2a: {  	v5 =	vmul.f32 $1.061405420e+00, v4;
	_ =	sdelay $0x1  }
0x2b: {  	v3 =	vmul.f32 v3, v3;
	v5 =	vadd.f32 $-1.453152060e+00, v5;
	_ =	sdelay $0x1  }
0x2c: {  	v3 =	vsub.f32 $0.0e+00, v3;
	v5 =	vmul.f32 v5, v4  }
0x2d: {  	s17 =	simm.s32 $0x8020  }
0x2e: {  	s16 =	simm.s32 $0xC020;
	v7 =	vld [tilespmem:s17+$0xFFFFFFE0];
	v3 =	vmul.f32 $1.442695020e+00, v3;
	v5 =	vadd.f32 $1.421413780e+00, v5  }
0x2f: {  	v6 =	vld [tilespmem:s16+$0xFFFFFFE0]  }
0x30: {  	(erf) = vpow2.f32 v3;
	v5 =	vmul.f32 v5, v4;
	_ =	sdelay $0x1  }
0x31: {  	(erf) = vrcp.f32 v2;
	v3 =	vadd.f32 $-2.844967250e-01, v5;
	_ =	sdelay $0x1  }
0x32: {  	v3 =	vmul.f32 v3, v4;
	_ =	sdelay $0x1  }
0x33: {  	v55 =	vld.idx.msk [tilespmem:v7+s2+$0x0], $0xffff;
	v3 =	vadd.f32 $2.548295860e-01, v3  }
0x34: {  	v5 =	vld.idx.msk [tilespmem:v6+s2+$0x0], $0xffff  }
0x35: {  	v3 =	vmul.f32 v3, v4  }
0x36: {  	v4 =	vpop (erf)  }
0x37: {  	vm0 =	vlt.f32 v2, $1.314130400e+01;
	v7 =	vshrl.u32 v7, $0x8;
	v3 =	vmul.f32 v3, v4  }
0x38: {  	v2 =	vadd.s32 v1, v7;
	v4 =	vpop (erf)  }
0x39: {  	v3 =	vmul.f32 v3, v4;
	v4 =	vmul.f32 v5, v55;
	_ =	sdelay $0x1  }
0x3a: {  	v3 =	vmul.f32 v3, v4;
	_ =	sdelay $0x1  }
0x3b: {  	[tilespmem:v2+s13+$0x0] =	vst.idx.add.f32.msk vm0, v3  }
0x3c: {  	v2 =	vld [tilespmem:s18+$0xFFFFFFF0];
	_ =	sdelay $0x4  }
0x3d: {  	v3 =	vmul.f32 $4.000000060e-01, v2;
	_ =	sdelay $0x1  }
0x3e: {  	v4 =	vmul.f32 $3.275910910e-01, v3;
	_ =	sdelay $0x1  }
0x3f: {  	v4 =	vadd.f32 $1.000000000e+00, v4;
	_ =	sdelay $0x1  }
0x40: {  	(erf) = vrcp.f32 v4;
	_ =	sdelay $0x8  }
0x41: {  	v4 =	vpop (erf)  }
0x42: {  	v5 =	vmul.f32 $1.061405420e+00, v4;
	_ =	sdelay $0x1  }
0x43: {  	v3 =	vmul.f32 v3, v3;
	v5 =	vadd.f32 $-1.453152060e+00, v5;
	_ =	sdelay $0x1  }
0x44: {  	v3 =	vsub.f32 $0.0e+00, v3;
	v5 =	vmul.f32 v5, v4;
	_ =	sdelay $0x1  }
0x45: {  	v57 =	vld [tilespmem:s17+$0xFFFFFFF0];
	v3 =	vmul.f32 $1.442695020e+00, v3;
	v5 =	vadd.f32 $1.421413780e+00, v5  }
0x46: {  	v56 =	vld [tilespmem:s16+$0xFFFFFFF0]  }
0x47: {  	(erf) = vpow2.f32 v3;
	v5 =	vmul.f32 v5, v4;
	_ =	sdelay $0x1  }
0x48: {  	(erf) = vrcp.f32 v2;
	v3 =	vadd.f32 $-2.844967250e-01, v5;
	_ =	sdelay $0x1  }
0x49: {  	v3 =	vmul.f32 v3, v4;
	_ =	sdelay $0x1  }
0x4a: {  	v58 =	vld.idx.msk [tilespmem:v57+s2+$0x0], $0xffff;
	v3 =	vadd.f32 $2.548295860e-01, v3  }
0x4b: {  	v5 =	vld.idx.msk [tilespmem:v56+s2+$0x0], $0xffff  }
0x4c: {  	v3 =	vmul.f32 v3, v4  }
0x4d: {  	v4 =	vpop (erf)  }
0x4e: {  	v7 =	vshrl.u32 v57, $0x8;
	vm0 =	vlt.f32 v2, $1.314130400e+01;
	v3 =	vmul.f32 v3, v4  }
0x4f: {  	v2 =	vadd.s32 v1, v7;
	v4 =	vpop (erf)  }
0x50: {  	v3 =	vmul.f32 v3, v4;
	v4 =	vmul.f32 v5, v58;
	_ =	sdelay $0x1  }
0x51: {  	v3 =	vmul.f32 v3, v4;
	_ =	sdelay $0x1  }
0x52: {  	[tilespmem:v2+s13+$0x0] =	vst.idx.add.f32.msk vm0, v3  }
0x53: {  	v2 =	vld [tilespmem:s18+$0x0];
	_ =	sdelay $0x4  }
0x54: {  	v3 =	vmul.f32 $4.000000060e-01, v2;
	_ =	sdelay $0x1  }
0x55: {  	v4 =	vmul.f32 $3.275910910e-01, v3;
	_ =	sdelay $0x1  }
0x56: {  	v4 =	vadd.f32 $1.000000000e+00, v4;
	_ =	sdelay $0x1  }
0x57: {  	(erf) = vrcp.f32 v4;
	_ =	sdelay $0x8  }
0x58: {  	v4 =	vpop (erf)  }
0x59: {  	v5 =	vmul.f32 $1.061405420e+00, v4;
	_ =	sdelay $0x1  }
0x5a: {  	v3 =	vmul.f32 v3, v3;
	v5 =	vadd.f32 $-1.453152060e+00, v5;
	_ =	sdelay $0x1  }
0x5b: {  	v3 =	vsub.f32 $0.0e+00, v3;
	v5 =	vmul.f32 v5, v4;
	_ =	sdelay $0x1  }
0x5c: {  	v3 =	vmul.f32 $1.442695020e+00, v3;
	v5 =	vadd.f32 $1.421413780e+00, v5;
	_ =	sdelay $0x1  }
0x5d: {  	v60 =	vld [tilespmem:s17+$0x0];
	(erf) = vpow2.f32 v3;
	v5 =	vmul.f32 v5, v4  }
0x5e: {  	v59 =	vld [tilespmem:s16+$0x0]  }
0x5f: {  	v3 =	vadd.f32 $-2.844967250e-01, v5;
	_ =	sdelay $0x1  }
0x60: {  	(erf) = vrcp.f32 v2;
	v3 =	vmul.f32 v3, v4;
	_ =	sdelay $0x1  }
0x61: {  	v3 =	vadd.f32 $2.548295860e-01, v3;
	_ =	sdelay $0x1  }
0x62: {  	v61 =	vld.idx.msk [tilespmem:v60+s2+$0x0], $0xffff;
	v3 =	vmul.f32 v3, v4  }
0x63: {  	v5 =	vld.idx.msk [tilespmem:v59+s2+$0x0], $0xffff;
	v4 =	vpop (erf)  }
0x64: {  	v3 =	vmul.f32 v3, v4;
	v4 =	vshrl.u32 v60, $0x8;
	_ =	sdelay $0x1  }
0x65: {  	vm0 =	vlt.f32 v2, $1.314130400e+01  }
0x66: {  	v2 =	vadd.s32 v1, v4;
	v4 =	vpop (erf)  }
0x67: {  	v3 =	vmul.f32 v3, v4;
	v4 =	vmul.f32 v5, v61;
	_ =	sdelay $0x1  }
0x68: {  	v3 =	vmul.f32 v3, v4;
	_ =	sdelay $0x1  }
0x69: {  	[tilespmem:v2+s13+$0x0] =	vst.idx.add.f32.msk vm0, v3  }
0x6a: {  	v2 =	vld [tilespmem:s18+$0x10];
	_ =	sdelay $0x4  }
0x6b: {  	v3 =	vmul.f32 $4.000000060e-01, v2;
	_ =	sdelay $0x1  }
0x6c: {  	v4 =	vmul.f32 $3.275910910e-01, v3;
	_ =	sdelay $0x1  }
0x6d: {  	v4 =	vadd.f32 $1.000000000e+00, v4;
	_ =	sdelay $0x1  }
0x6e: {  	(erf) = vrcp.f32 v4;
	_ =	sdelay $0x8  }
0x6f: {  	v4 =	vpop (erf)  }
0x70: {  	v5 =	vmul.f32 $1.061405420e+00, v4;
	_ =	sdelay $0x1  }
0x71: {  	v3 =	vmul.f32 v3, v3;
	v5 =	vadd.f32 $-1.453152060e+00, v5;
	_ =	sdelay $0x1  }
0x72: {  	v3 =	vsub.f32 $0.0e+00, v3;
	v5 =	vmul.f32 v5, v4;
	_ =	sdelay $0x1  }
0x73: {  	v63 =	vld [tilespmem:s16+$0x10];
	v3 =	vmul.f32 $1.442695020e+00, v3;
	v5 =	vadd.f32 $1.421413780e+00, v5  }
0x74: {  	v62 =	vld [tilespmem:s17+$0x10]  }
0x75: {  	(erf) = vpow2.f32 v3;
	v5 =	vmul.f32 v5, v4;
	_ =	sdelay $0x1  }
0x76: {  	(erf) = vrcp.f32 v2;
	v3 =	vadd.f32 $-2.844967250e-01, v5;
	_ =	sdelay $0x1  }
0x77: {  	v3 =	vmul.f32 v3, v4;
	_ =	sdelay $0x1  }
0x78: {  	v7 =	vld.idx.msk [tilespmem:v63+s2+$0x0], $0xffff;
	v3 =	vadd.f32 $2.548295860e-01, v3  }
0x79: {  	v5 =	vld.idx.msk [tilespmem:v62+s2+$0x0], $0xffff  }
0x7a: {  	v3 =	vmul.f32 v3, v4  }
0x7b: {  	v4 =	vpop (erf)  }
0x7c: {  	v3 =	vmul.f32 v3, v4  }
0x7d: {  	vm0 =	vlt.f32 v2, $1.314130400e+01;
	v4 =	vpop (erf)  }
0x7e: {  	v3 =	vmul.f32 v3, v4;
	v4 =	vmul.f32 v7, v5;
	v5 =	vshrl.u32 v62, $0x8  }
0x7f: {  	v2 =	vadd.s32 v1, v5;
	_ =	sdelay $0x2  }
0x80: {  	v3 =	vmul.f32 v3, v4  }
0x81: {  	s19 =	simm.s32 $0x4060;
	s18 =	simm.s32 $0x0  }
.LBB2_4:
0x82: {  	s18 =	sadd.s32 $0x4, s18;
	[tilespmem:v2+s13+$0x0] =	vst.idx.add.f32.msk vm0, v3;
	s16 =	sadd.s32 $0x40, s16;
	s17 =	sadd.s32 $0x40, s17  }
0x83: {  	v2 =	vld [tilespmem:s19+$0xFFFFFFE0];
	p0 =	slt.u32 s18, $0x3FC;
	_ =	sdelay $0x4  }
0x84: {  	v3 =	vmul.f32 $4.000000060e-01, v2;
	_ =	sdelay $0x1  }
0x85: {  	v4 =	vmul.f32 $3.275910910e-01, v3;
	v3 =	vmul.f32 v3, v3;
	_ =	sdelay $0x1  }
0x86: {  	v4 =	vadd.f32 $1.000000000e+00, v4;
	v3 =	vsub.f32 $0.0e+00, v3;
	_ =	sdelay $0x1  }
0x87: {  	v3 =	vmul.f32 $1.442695020e+00, v3;
	(erf) = vrcp.f32 v4;
	_ =	sdelay $0x8  }
0x88: {  	v4 =	vpop (erf)  }
0x89: {  	v5 =	vmul.f32 $1.061405420e+00, v4;
	_ =	sdelay $0x1  }
0x8a: {  	v5 =	vadd.f32 $-1.453152060e+00, v5;
	_ =	sdelay $0x1  }
0x8b: {  	v5 =	vmul.f32 v5, v4  }
0x8c: {  	v6 =	vld [tilespmem:s16+$0xFFFFFFE0]  }
0x8d: {  	v7 =	vld [tilespmem:s17+$0xFFFFFFE0];
	v5 =	vadd.f32 $1.421413780e+00, v5;
	_ =	sdelay $0x1  }
0x8e: {  	v5 =	vmul.f32 v5, v4;
	(erf) = vpow2.f32 v3;
	_ =	sdelay $0x1  }
0x8f: {  	v3 =	vadd.f32 $-2.844967250e-01, v5;
	(erf) = vrcp.f32 v2  }
0x90: {  	v5 =	vshrl.u32 v7, $0x8  }
0x91: {  	v3 =	vmul.f32 v3, v4  }
0x92: {  	v6 =	vld.idx.msk [tilespmem:v6+s2+$0x0], $0xffff  }
0x93: {  	v7 =	vld.idx.msk [tilespmem:v7+s2+$0x0], $0xffff;
	v3 =	vadd.f32 $2.548295860e-01, v3;
	_ =	sdelay $0x1  }
0x94: {  	v3 =	vmul.f32 v3, v4  }
0x95: {  	v4 =	vpop (erf)  }
0x96: {  	vm0 =	vlt.f32 v2, $1.314130400e+01;
	v3 =	vmul.f32 v3, v4  }
0x97: {  	v2 =	vadd.s32 v1, v5;
	v4 =	vpop (erf)  }
0x98: {  	v3 =	vmul.f32 v3, v4;
	v4 =	vmul.f32 v6, v7;
	_ =	sdelay $0x1  }
0x99: {  	v3 =	vmul.f32 v3, v4;
	_ =	sdelay $0x1  }
0x9a: {  	[tilespmem:v2+s13+$0x0] =	vst.idx.add.f32.msk vm0, v3  }
0x9b: {  	v2 =	vld [tilespmem:s19+$0xFFFFFFF0];
	_ =	sdelay $0x4  }
0x9c: {  	v3 =	vmul.f32 $4.000000060e-01, v2;
	_ =	sdelay $0x1  }
0x9d: {  	v4 =	vmul.f32 $3.275910910e-01, v3;
	v3 =	vmul.f32 v3, v3;
	_ =	sdelay $0x1  }
0x9e: {  	v4 =	vadd.f32 $1.000000000e+00, v4;
	v3 =	vsub.f32 $0.0e+00, v3;
	_ =	sdelay $0x1  }
0x9f: {  	v3 =	vmul.f32 $1.442695020e+00, v3;
	(erf) = vrcp.f32 v4;
	_ =	sdelay $0x8  }
0xa0: {  	v4 =	vpop (erf)  }
0xa1: {  	v5 =	vmul.f32 $1.061405420e+00, v4;
	_ =	sdelay $0x1  }
0xa2: {  	v5 =	vadd.f32 $-1.453152060e+00, v5;
	_ =	sdelay $0x1  }
0xa3: {  	v5 =	vmul.f32 v5, v4  }
0xa4: {  	v6 =	vld [tilespmem:s16+$0xFFFFFFF0]  }
0xa5: {  	v7 =	vld [tilespmem:s17+$0xFFFFFFF0];
	v5 =	vadd.f32 $1.421413780e+00, v5;
	_ =	sdelay $0x1  }
0xa6: {  	v5 =	vmul.f32 v5, v4;
	(erf) = vpow2.f32 v3;
	_ =	sdelay $0x1  }
0xa7: {  	v3 =	vadd.f32 $-2.844967250e-01, v5;
	(erf) = vrcp.f32 v2  }
0xa8: {  	v5 =	vshrl.u32 v7, $0x8  }
0xa9: {  	v3 =	vmul.f32 v3, v4  }
0xaa: {  	v6 =	vld.idx.msk [tilespmem:v6+s2+$0x0], $0xffff  }
0xab: {  	v7 =	vld.idx.msk [tilespmem:v7+s2+$0x0], $0xffff;
	v3 =	vadd.f32 $2.548295860e-01, v3;
	_ =	sdelay $0x1  }
0xac: {  	v3 =	vmul.f32 v3, v4  }
0xad: {  	v4 =	vpop (erf)  }
0xae: {  	vm0 =	vlt.f32 v2, $1.314130400e+01;
	v3 =	vmul.f32 v3, v4  }
0xaf: {  	v2 =	vadd.s32 v1, v5;
	v4 =	vpop (erf)  }
0xb0: {  	v3 =	vmul.f32 v3, v4;
	v4 =	vmul.f32 v6, v7;
	_ =	sdelay $0x1  }
0xb1: {  	v3 =	vmul.f32 v3, v4;
	_ =	sdelay $0x1  }
0xb2: {  	[tilespmem:v2+s13+$0x0] =	vst.idx.add.f32.msk vm0, v3  }
0xb3: {  	v2 =	vld [tilespmem:s19+$0x0];
	_ =	sdelay $0x4  }
0xb4: {  	v3 =	vmul.f32 $4.000000060e-01, v2;
	_ =	sdelay $0x1  }
0xb5: {  	v4 =	vmul.f32 $3.275910910e-01, v3;
	v3 =	vmul.f32 v3, v3;
	_ =	sdelay $0x1  }
0xb6: {  	v4 =	vadd.f32 $1.000000000e+00, v4;
	v3 =	vsub.f32 $0.0e+00, v3;
	_ =	sdelay $0x1  }
0xb7: {  	v3 =	vmul.f32 $1.442695020e+00, v3;
	(erf) = vrcp.f32 v4;
	_ =	sdelay $0x8  }
0xb8: {  	v4 =	vpop (erf)  }
0xb9: {  	v5 =	vmul.f32 $1.061405420e+00, v4;
	_ =	sdelay $0x1  }
0xba: {  	v5 =	vadd.f32 $-1.453152060e+00, v5;
	_ =	sdelay $0x1  }
0xbb: {  	v5 =	vmul.f32 v5, v4  }
0xbc: {  	v6 =	vld [tilespmem:s16+$0x0]  }
0xbd: {  	v7 =	vld [tilespmem:s17+$0x0];
	v5 =	vadd.f32 $1.421413780e+00, v5;
	_ =	sdelay $0x1  }
0xbe: {  	v5 =	vmul.f32 v5, v4;
	(erf) = vpow2.f32 v3;
	_ =	sdelay $0x1  }
0xbf: {  	v3 =	vadd.f32 $-2.844967250e-01, v5;
	(erf) = vrcp.f32 v2;
	_ =	sdelay $0x1  }
0xc0: {  	v3 =	vmul.f32 v3, v4  }
0xc1: {  	v5 =	vld.idx.msk [tilespmem:v6+s2+$0x0], $0xffff  }
0xc2: {  	v6 =	vld.idx.msk [tilespmem:v7+s2+$0x0], $0xffff;
	v3 =	vadd.f32 $2.548295860e-01, v3;
	_ =	sdelay $0x1  }
0xc3: {  	v3 =	vmul.f32 v3, v4  }
0xc4: {  	v4 =	vpop (erf)  }
0xc5: {  	vm0 =	vlt.f32 v2, $1.314130400e+01;
	v7 =	vshrl.u32 v7, $0x8;
	v3 =	vmul.f32 v3, v4  }
0xc6: {  	v2 =	vadd.s32 v1, v7;
	v4 =	vpop (erf)  }
0xc7: {  	v3 =	vmul.f32 v3, v4;
	v4 =	vmul.f32 v5, v6;
	_ =	sdelay $0x1  }
0xc8: {  	v3 =	vmul.f32 v3, v4;
	_ =	sdelay $0x1  }
0xc9: {  	[tilespmem:v2+s13+$0x0] =	vst.idx.add.f32.msk vm0, v3  }
0xca: {  	v2 =	vld [tilespmem:s19+$0x10]  }
0xcb: {  	v3 =	vld [tilespmem:s17+$0x10]  }
0xcc: {  	v4 =	vld [tilespmem:s16+$0x10];
	_ =	sdelay $0x2  }
0xcd: {  	v5 =	vmul.f32 $4.000000060e-01, v2  }
0xce: {  	v6 =	vshrl.u32 v3, $0x8  }
0xcf: {  	v7 =	vmul.f32 $3.275910910e-01, v5;
	v5 =	vmul.f32 v5, v5;
	_ =	sdelay $0x1  }
0xd0: {  	v3 =	vld.idx.msk [tilespmem:v3+s2+$0x0], $0xffff;
	v7 =	vadd.f32 $1.000000000e+00, v7;
	v5 =	vsub.f32 $0.0e+00, v5  }
0xd1: {  	v4 =	vld.idx.msk [tilespmem:v4+s2+$0x0], $0xffff  }
0xd2: {  	v5 =	vmul.f32 $1.442695020e+00, v5;
	(erf) = vrcp.f32 v7;
	_ =	sdelay $0x8  }
0xd3: {  	v7 =	vpop (erf)  }
0xd4: {  	v8 =	vmul.f32 $1.061405420e+00, v7;
	_ =	sdelay $0x1  }
0xd5: {  	v8 =	vadd.f32 $-1.453152060e+00, v8;
	_ =	sdelay $0x1  }
0xd6: {  	v8 =	vmul.f32 v8, v7;
	_ =	sdelay $0x1  }
0xd7: {  	v8 =	vadd.f32 $1.421413780e+00, v8;
	_ =	sdelay $0x1  }
0xd8: {  	v8 =	vmul.f32 v8, v7;
	(erf) = vpow2.f32 v5;
	_ =	sdelay $0x1  }
0xd9: {  	v5 =	vadd.f32 $-2.844967250e-01, v8;
	(erf) = vrcp.f32 v2;
	_ =	sdelay $0x1  }
0xda: {  	v5 =	vmul.f32 v5, v7;
	_ =	sdelay $0x1  }
0xdb: {  	v5 =	vadd.f32 $2.548295860e-01, v5;
	_ =	sdelay $0x1  }
0xdc: {  	v5 =	vmul.f32 v5, v7  }
0xdd: {  	v7 =	vpop (erf)  }
0xde: {  	vm0 =	vlt.f32 v2, $1.314130400e+01;
	v5 =	vmul.f32 v5, v7  }
.Ltmp1:
0xdf: {  	v2 =	vadd.s32 v1, v6;
	v6 =	vpop (erf);
	(pc) =	sbr.rel @p0 .LBB2_4-.Ltmp1, $3  }
0xe0: {  	v3 =	vmul.f32 v4, v3;
	v5 =	vmul.f32 v5, v6;
	_ =	sdelay $0x1  }
0xe1: {  	v3 =	vmul.f32 v5, v3  }
0xe2: {  	s19 =	sadd.s32 $0x40, s19  }
0xe3: {  	_ =	sdelay $0x4  }
0xe4: {  	[tilespmem:v2+s13+$0x0] =	vst.idx.add.f32.msk vm0, v3  }
0xe5: {  	v2 =	vld [tilespmem:$0x10000]  }
0xe6: {  	v3 =	vld [tilespmem:$0x10040]  }
0xe7: {  	v4 =	vld [tilespmem:$0x10080]  }
0xe8: {  	v5 =	vld [tilespmem:$0x100C0]  }
0xe9: {  	v6 =	vld [tilespmem:$0x10100]  }
0xea: {  	v7 =	vld [tilespmem:$0x10140]  }
0xeb: {  	v8 =	vld [tilespmem:$0x10180]  }
0xec: {  	v9 =	vld [tilespmem:$0x101C0]  }
0xed: {  	v10 =	vld [tilespmem:$0x10200]  }
0xee: {  	v11 =	vld [tilespmem:$0x10240]  }
0xef: {  	v12 =	vld [tilespmem:$0x10280]  }
0xf0: {  	v13 =	vld [tilespmem:$0x102C0]  }
0xf1: {  	v14 =	vld [tilespmem:$0x10300]  }
0xf2: {  	v15 =	vld [tilespmem:$0x10340]  }
0xf3: {  	v16 =	vld [tilespmem:$0x10380]  }
0xf4: {  	v17 =	vld [tilespmem:$0x103C0]  }
0xf5: {  	v18 =	vld [tilespmem:$0x10010]  }
0xf6: {  	v19 =	vld [tilespmem:$0x10050]  }
0xf7: {  	v20 =	vld [tilespmem:$0x10090]  }
0xf8: {  	v21 =	vld [tilespmem:$0x100D0]  }
0xf9: {  	v22 =	vld [tilespmem:$0x10110]  }
0xfa: {  	v23 =	vld [tilespmem:$0x10150]  }
0xfb: {  	v24 =	vld [tilespmem:$0x10190]  }
0xfc: {  	v25 =	vld [tilespmem:$0x101D0]  }
0xfd: {  	v26 =	vld [tilespmem:$0x10210]  }
0xfe: {  	v27 =	vld [tilespmem:$0x10250]  }
0xff: {  	v28 =	vld [tilespmem:$0x10290]  }
0x100: {  	v29 =	vld [tilespmem:$0x102D0]  }
0x101: {  	v30 =	vld [tilespmem:$0x10310]  }
0x102: {  	v31 =	vld [tilespmem:$0x10350]  }
0x103: {  	v32 =	vld [tilespmem:$0x10390]  }
0x104: {  	v33 =	vld [tilespmem:$0x103D0]  }
0x105: {  	v34 =	vld [tilespmem:$0x10020]  }
0x106: {  	v35 =	vld [tilespmem:$0x10030]  }
0x107: {  	v36 =	vld [tilespmem:$0x10060]  }
0x108: {  	v37 =	vld [tilespmem:$0x10070];
	v2 =	vadd.f32 $0.0e+00, v2  }
0x109: {  	v38 =	vld [tilespmem:$0x100A0];
	v18 =	vadd.f32 $0.0e+00, v18  }
0x10a: {  	v61 =	vld [tilespmem:$0x100B0];
	v2 =	vadd.f32 v3, v2;
	v3 =	vadd.f32 $0.0e+00, v34  }
0x10b: {  	v62 =	vld [tilespmem:$0x100E0];
	v35 =	vadd.f32 $0.0e+00, v35;
	v18 =	vadd.f32 v19, v18  }
0x10c: {  	v63 =	vld [tilespmem:$0x100F0];
	v2 =	vadd.f32 v4, v2;
	v3 =	vadd.f32 v36, v3  }
0x10d: {  	v18 =	vadd.f32 v20, v18;
	v36 =	vadd.f32 v37, v35;
	v37 =	vld [tilespmem:$0x10120]  }
0x10e: {  	v2 =	vadd.f32 v5, v2;
	v3 =	vadd.f32 v38, v3;
	v38 =	vld [tilespmem:$0x10130]  }
0x10f: {  	v39 =	vld [tilespmem:$0x10160];
	v18 =	vadd.f32 v21, v18;
	v20 =	vadd.f32 v61, v36  }
0x110: {  	v40 =	vld [tilespmem:$0x10170];
	v2 =	vadd.f32 v6, v2;
	v3 =	vadd.f32 v62, v3  }
0x111: {  	v41 =	vld [tilespmem:$0x101A0];
	v18 =	vadd.f32 v22, v18;
	v4 =	vadd.f32 v63, v20  }
0x112: {  	v42 =	vld [tilespmem:$0x101B0];
	v2 =	vadd.f32 v7, v2;
	v3 =	vadd.f32 v37, v3  }
0x113: {  	v43 =	vld [tilespmem:$0x101E0];
	v18 =	vadd.f32 v23, v18;
	v4 =	vadd.f32 v38, v4  }
0x114: {  	v44 =	vld [tilespmem:$0x101F0];
	v2 =	vadd.f32 v8, v2;
	v3 =	vadd.f32 v39, v3  }
0x115: {  	v45 =	vld [tilespmem:$0x10220];
	v18 =	vadd.f32 v24, v18;
	v4 =	vadd.f32 v40, v4  }
0x116: {  	v46 =	vld [tilespmem:$0x10230];
	v2 =	vadd.f32 v9, v2;
	v3 =	vadd.f32 v41, v3  }
0x117: {  	v47 =	vld [tilespmem:$0x10260];
	v18 =	vadd.f32 v25, v18;
	v4 =	vadd.f32 v42, v4  }
0x118: {  	v48 =	vld [tilespmem:$0x10270];
	v2 =	vadd.f32 v10, v2;
	v3 =	vadd.f32 v43, v3  }
0x119: {  	v50 =	vld [tilespmem:$0x102A0];
	v49 =	vadd.f32 v26, v18;
	v4 =	vadd.f32 v44, v4  }
0x11a: {  	v51 =	vld [tilespmem:$0x102B0];
	v2 =	vadd.f32 v11, v2;
	v3 =	vadd.f32 v45, v3  }
0x11b: {  	v52 =	vld [tilespmem:$0x102E0];
	v10 =	vadd.f32 v27, v49;
	v4 =	vadd.f32 v46, v4  }
0x11c: {  	v53 =	vld [tilespmem:$0x102F0];
	v2 =	vadd.f32 v12, v2;
	v3 =	vadd.f32 v47, v3  }
0x11d: {  	v54 =	vld [tilespmem:$0x10320];
	v10 =	vadd.f32 v28, v10;
	v4 =	vadd.f32 v48, v4  }
0x11e: {  	v55 =	vld [tilespmem:$0x10330];
	v2 =	vadd.f32 v13, v2;
	v3 =	vadd.f32 v50, v3  }
0x11f: {  	v56 =	vld [tilespmem:$0x10360];
	v10 =	vadd.f32 v29, v10;
	v4 =	vadd.f32 v51, v4  }
0x120: {  	v57 =	vld [tilespmem:$0x10370];
	v2 =	vadd.f32 v14, v2;
	v3 =	vadd.f32 v52, v3  }
0x121: {  	v58 =	vld [tilespmem:$0x103A0];
	v10 =	vadd.f32 v30, v10;
	v4 =	vadd.f32 v53, v4  }
0x122: {  	v59 =	vld [tilespmem:$0x103B0];
	v2 =	vadd.f32 v15, v2;
	v3 =	vadd.f32 v54, v3  }
0x123: {  	v60 =	vld [tilespmem:$0x103E0];
	v10 =	vadd.f32 v31, v10;
	v4 =	vadd.f32 v55, v4  }
0x124: {  	v61 =	vld [tilespmem:$0x103F0];
	v2 =	vadd.f32 v16, v2;
	v3 =	vadd.f32 v56, v3  }
0x125: {  	v10 =	vadd.f32 v32, v10;
	v4 =	vadd.f32 v57, v4  }
0x126: {  	v2 =	vadd.f32 v17, v2;
	v3 =	vadd.f32 v58, v3  }
0x127: {  	v62 =	vadd.f32 v33, v10;
	v4 =	vadd.f32 v59, v4  }
0x128: {  	v3 =	vadd.f32 v60, v3;
	v2 =	vmul.f32 $7.199822900e+00, v2  }
0x129: {  	v63 =	vmul.f32 $7.199822900e+00, v62;
	v4 =	vadd.f32 v61, v4  }
0x12a: {  	[tilespmem:$0x10400] =	vst v2;
	v2 =	vmul.f32 $7.199822900e+00, v3  }
0x12b: {  	s15 =	sadd.s32 $0x1, s15;
	[tilespmem:$0x10410] =	vst v63;
	v3 =	vmul.f32 $7.199822900e+00, v4  }
0x12c: {  	p0 =	sne.s32 s15, s7;
	[tilespmem:$0x10420] =	vst v2  }
.Ltmp2:
0x12d: {  	[tilespmem:$0x10430] =	vst v3;
	(pc) =	sbr.rel @p0 .LBB2_1-.Ltmp2, $4  }
0x12e: {  	[hbm4b:s8+s2] =	stream.linear.scatter [tilespmem:s14], [sflag:$0x1], $0x80, $0x38;
	[tilespmem:$0x10480] =	vst v63  }
0x12f: {  	_ =	swait.ge [sflag:s9], $0x80  }
0x130: {  	[sflag:s9] =	ssyncset.done $0x0  }
0x131: {  	[sflag:s9] =	ssyncadd.s32 $0xFFFFFF80  }
0x132: {  	_ =	sfence.sel $0x180000  }
0x133: {  	[bflag:$0x0] =	sbarrier.arrive $0xFFFF  }
0x134: {  	p0 =	sne.s32 s3, $0x0;
	_ =	strace $0x90000047  }
0x135: {  	s0 =	sadd.s32 @!p0 $0x100000, s0;
	[bflag:$0x2] =	sbarrier.arrive $0xFFFF  }
0x136: {  	[sflag:s0] =	ssyncadd.tile.s32 @!p0 $0x1;
	_ =	shalt  }
.Lfunc_end2:
_tile_overlayer_lowered:
.L_overlay_start_2:
0x137: {  	(tag) =	ssettag $0x2  }
0x138: {  	s0 =	rddreg [dreg:$0x0];
	s2 =	stileid.u32  }
0x139: {  	s1 =	rddreg [dreg:$0x1];
	p0 =	sne.s32 s2, $0x0  }
0x13a: {  	s3 =	rddreg [dreg:$0x2];
	[bflag:$0x3] =	sbarrier.arrive $0xFFFF;
	s2 =	simm.s32 @!p0 $0x1C01  }
0x13b: {  	[timem:s3], [sflag:s2] =	dma.local @!p0 [hbm:s0], s1  }
0x13c: {  	s0 =	simm.s32 @!p0 $0x1  }
0x13d: {  	_ =	swait.ge @!p0 [sflag:s0], s1  }
0x13e: {  	s1 =	ssub.s32 @!p0 $0x0, s1;
	[sflag:s0] =	ssyncset.done @!p0 $0x0  }
0x13f: {  	[sflag:s0] =	ssyncadd.s32 @!p0 s1  }
0x140: {  	[bflag:$0x3] =	sbarrier.arrive $0xFFFF  }
0x141: {  	_ =	shalt  }

</sc_bundles>
